<compile_context>
chip_gen: v7x
topology: tpu7x:2x2x1
jax: 0.10.2.dev20260603
libtpu: 0.0.44.dev20260713+nightly
codegen_flags: <defaults>
</compile_context>

<pallas_src>
import functools

import numpy as np
import jax
import jax.numpy as jnp
from jax import lax
from jax.experimental import pallas as pl
from jax.experimental.pallas import tpu as pltpu
from jax.experimental.pallas import tpu_sc as plsc

_NUM = 512
_NFREQ = 9
_NT = 16
_BATCH = 4096
_IN_DIM = _NUM * 2 * _NFREQ - _NUM

_L = 16
_NC, _NS = 2, 16
_NW = _NC * _NS
_ROWS_PER_W = _BATCH // _NW
_GROUPS = _NUM // _L


_C = float(np.sqrt(2.0) / 2.0)
_C1 = float(np.cos(np.pi / 8.0))
_S1 = float(np.sin(np.pi / 8.0))


def _stage1(re, im):
    r = {0: re[0], 8: re[8]}
    i = {}
    for f in range(1, 8):
        r[f] = 2.0 * re[f]
        i[f] = 2.0 * im[f]
    p = r[0] + r[8]
    m = r[0] - r[8]
    ee0 = p + r[4]; ee2 = p - r[4]; ee1 = m - i[4]; ee3 = m + i[4]
    eo0 = r[2] + r[6]
    t1 = r[2] - r[6]; t2 = i[2] + i[6]
    eo1 = _C * (t1 - t2)
    eo2 = i[6] - i[2]
    eo3m = _C * (t1 + t2)
    ev = [ee0 + eo0, ee1 + eo1, ee2 + eo2, ee3 - eo3m,
          ee0 - eo0, ee1 - eo1, ee2 - eo2, ee3 + eo3m]
    o0 = (r[1] + r[3]) + (r[5] + r[7])
    o4 = (i[3] - i[1]) + (i[7] - i[5])
    aa = r[1] - r[7]; bb = r[3] - r[5]
    cc = i[1] + i[7]; dd = i[3] + i[5]
    oc1 = _C1 * aa + _S1 * bb; os1 = _S1 * cc + _C1 * dd
    oc3 = _S1 * aa - _C1 * bb; os3 = _C1 * cc - _S1 * dd
    oc2 = _C * ((r[1] + r[7]) - (r[3] + r[5]))
    os2 = _C * ((i[1] + i[3]) - (i[5] + i[7]))
    o1 = oc1 - os1; o7m = oc1 + os1
    o2 = oc2 - os2; o6m = oc2 + os2
    o3 = oc3 - os3; o5m = oc3 + os3
    sig = [None] * _NT
    sig[0] = ev[0] + o0;  sig[8] = ev[0] - o0
    sig[1] = ev[1] + o1;  sig[9] = ev[1] - o1
    sig[2] = ev[2] + o2;  sig[10] = ev[2] - o2
    sig[3] = ev[3] + o3;  sig[11] = ev[3] - o3
    sig[4] = ev[4] + o4;  sig[12] = ev[4] - o4
    sig[5] = ev[5] - o5m; sig[13] = ev[5] + o5m
    sig[6] = ev[6] - o6m; sig[14] = ev[6] + o6m
    sig[7] = ev[7] - o7m; sig[15] = ev[7] + o7m
    return sig


def _stage2(act):
    u = {s: act[s] + act[_NT - s] for s in range(1, 8)}
    v = {s: act[s] - act[_NT - s] for s in range(1, 8)}
    ap = act[0] + act[8]; am = act[0] - act[8]
    tt = u[2] + u[6]; q = ap + u[4]
    pe0 = q + tt; pe4 = q - tt; pe2 = ap - u[4]
    cb = _C * (u[2] - u[6])
    pe1 = am + cb; pe3 = am - cb
    po0 = (u[1] + u[3]) + (u[5] + u[7])
    d1 = u[1] - u[7]; d2 = u[3] - u[5]
    po1 = _C1 * d1 + _S1 * d2
    po3 = _S1 * d1 - _C1 * d2
    po2 = _C * ((u[1] + u[7]) - (u[3] + u[5]))
    reo = [pe0 + po0, pe1 + po1, pe2 + po2, pe3 + po3, pe4,
           pe3 - po3, pe2 - po2, pe1 - po1, pe0 - po0]
    wn = (-_C) * (v[2] + v[6])
    qe1 = wn - v[4]; qe3 = wn + v[4]; qe2 = v[6] - v[2]
    e1 = v[1] + v[7]; e2 = v[3] + v[5]
    qo1 = (-_S1) * e1 + (-_C1) * e2
    qo3 = (-_C1) * e1 + _S1 * e2
    qo2 = (-_C) * ((v[1] + v[3]) - (v[5] + v[7]))
    qo4 = (v[3] - v[1]) + (v[7] - v[5])
    imo = {1: qe1 + qo1, 2: qe2 + qo2, 3: qe3 + qo3, 4: qo4,
           5: qo3 - qe3, 6: qo2 - qe2, 7: qo1 - qe1}
    return reo, imo


def _group_compute(row_in, row_out, n0, iota2):
    re = [None] * _NFREQ
    im = {}
    re[0] = row_in[pl.ds(n0, _L)]
    gbase = _NUM + 2 * n0
    for f in range(1, _NFREQ):
        base = gbase + (f - 1) * 2 * _NUM
        re[f] = plsc.load_gather(row_in, [iota2 + base])
        if f < 8:
            im[f] = plsc.load_gather(row_in, [iota2 + (base + 1)])

    sig = _stage1(re, im)
    act = [jnp.maximum(s, 0.0) * 0.0625 for s in sig]
    reo, imo = _stage2(act)

    row_out[pl.ds(n0, _L)] = reo[0]
    zero = act[0] * 0.0
    for f in range(1, _NFREQ):
        base = gbase + (f - 1) * 2 * _NUM
        plsc.store_scatter(row_out, [iota2 + base], reo[f])
        imo_f = imo[f] if f < 8 else zero
        plsc.store_scatter(row_out, [iota2 + (base + 1)], imo_f)


@functools.partial(
    pl.kernel,
    out_type=jax.ShapeDtypeStruct((_BATCH, _IN_DIM), jnp.float32),
    mesh=plsc.VectorSubcoreMesh(
        core_axis_name="c", subcore_axis_name="s",
        num_cores=_NC, num_subcores=_NS),
    scratch_types=[
        pltpu.VMEM((_IN_DIM,), jnp.float32),
        pltpu.VMEM((_IN_DIM,), jnp.float32),
        pltpu.VMEM((_IN_DIM,), jnp.float32),
        pltpu.VMEM((_IN_DIM,), jnp.float32),
        pltpu.SemaphoreType.DMA,
        pltpu.SemaphoreType.DMA,
        pltpu.SemaphoreType.DMA,
        pltpu.SemaphoreType.DMA,
    ],
    compiler_params=pltpu.CompilerParams(needs_layout_passes=False),
)
def _sc_run(x_hbm, out_hbm, in0, in1, out0, out1, si0, si1, so0, so1):
    wid = lax.axis_index("s") * _NC + lax.axis_index("c")
    base = wid * _ROWS_PER_W
    iota2 = lax.broadcasted_iota(jnp.int32, (_L,), 0) * 2
    ins, outs = (in0, in1), (out0, out1)
    sis, sos = (si0, si1), (so0, so1)
    npairs = _ROWS_PER_W // 2

    pltpu.make_async_copy(x_hbm.at[base], in0, si0).start()
    pltpu.make_async_copy(x_hbm.at[base + 1], in1, si1).start()

    def pair_body(i, carry):
        for b in range(2):
            row = base + 2 * i + b
            pltpu.make_async_copy(x_hbm.at[row], ins[b], sis[b]).wait()

            @pl.when(i != 0)
            def _wait_prev_out():
                pltpu.make_async_copy(
                    outs[b], out_hbm.at[row], sos[b]).wait()

            def grp_body(g, c2):
                _group_compute(ins[b], outs[b], g * _L, iota2)
                return c2

            lax.fori_loop(0, _GROUPS, grp_body, 0)
            pltpu.make_async_copy(outs[b], out_hbm.at[row], sos[b]).start()

            @pl.when(i != npairs - 1)
            def _prefetch_next_in():
                pltpu.make_async_copy(
                    x_hbm.at[row + 2], ins[b], sis[b]).start()

        return carry

    lax.fori_loop(0, npairs, pair_body, 0)
    pltpu.make_async_copy(out0, out_hbm.at[base], so0).wait()
    pltpu.make_async_copy(out1, out_hbm.at[base + 1], so1).wait()


def kernel(x, mask):
    del mask
    return _sc_run(x)

# --- scband reference (transcript-rebuilt; emitter-appended) ---
"""Pipeline reference for scband-regular-nonlinearity-20615843021563 (READ-ONLY COPY).

The authoritative reference and input builder live on the scoring server;
editing this copy changes nothing except your own understanding.
"""

import jax, jax.numpy as jnp
import numpy as np

NUM = 512      # rhos[0]; multiplicity of each frequency
NFREQ = 9      # len(rhos)
BATCH = 4096
IN_DIM = NUM * 2 * NFREQ - NUM  # 8704


def _make_mask():
    # mask = [2k for k in range(num)] ++ arange(num*2, num*2*len(rhos))
    m1 = np.array([2 * k for k in range(NUM)], dtype=np.int32)
    m2 = np.arange(NUM * 2, NUM * 2 * NFREQ, dtype=np.int32)
    return jnp.asarray(np.concatenate([m1, m2]))


def setup_inputs(seed: int = 0) -> dict:
    key = jax.random.key(seed)
    x = jax.random.normal(key, (BATCH, IN_DIM), dtype=jnp.float32)
    return {"x": x, "mask": _make_mask()}


def reference(x, mask):
    b = x.shape[0]
    total = NUM * 2 * NFREQ
    # scatter_add(x, mask): place x columns at mask positions, zeros elsewhere
    flat = jnp.zeros((b, total), dtype=x.dtype).at[:, mask].add(x)
    # [b, nfreq, num, 2] -> transpose(1,2) -> [b, num, nfreq, 2]
    grouped = flat.reshape(b, NFREQ, NUM, 2).transpose(0, 2, 1, 3)
    c = grouped[..., 0] + 1j * grouped[..., 1]
    # torch.irfft(grouped, 1) (onesided=True, normalized=False) == np irfft, n = 2*(F-1)
    signal = jnp.fft.irfft(c, n=2 * (NFREQ - 1), axis=-1)
    act = jax.nn.relu(signal)
    # torch.rfft(act, 1, onesided=True) == np rfft
    r = jnp.fft.rfft(act, axis=-1)
    res = jnp.stack([jnp.real(r), jnp.imag(r)], axis=-1)  # [b, num, nfreq, 2]
    res = res.transpose(0, 2, 1, 3).reshape(b, -1)        # [b, num*2*nfreq]
    return res[:, mask]

if __name__ == "__main__":
    import jax
    _d = setup_inputs()
    print(jax.jit(kernel)(*tuple(_d.values())))

</pallas_src>

<mosaic_0001>
#map = affine_map<(d0, d1) -> (0, 0)>
module attributes {stable_mosaic.version = 14 : i64} {
  func.func @_sc_run(%arg0: i32, %arg1: i32, %arg2: memref<4096x8704xf32, #tpu.memory_space<hbm>>, %arg3: memref<4096x8704xf32, #tpu.memory_space<hbm>>, %arg4: memref<8704xf32, #tpu.memory_space<vmem>>, %arg5: memref<8704xf32, #tpu.memory_space<vmem>>, %arg6: memref<8704xf32, #tpu.memory_space<vmem>>, %arg7: memref<8704xf32, #tpu.memory_space<vmem>>, %arg8: memref<!tpu.dma_semaphore, #tpu.memory_space<semaphore_mem>>, %arg9: memref<!tpu.dma_semaphore, #tpu.memory_space<semaphore_mem>>, %arg10: memref<!tpu.dma_semaphore, #tpu.memory_space<semaphore_mem>>, %arg11: memref<!tpu.dma_semaphore, #tpu.memory_space<semaphore_mem>>) attributes {dimension_semantics = [#tpu.dimension_semantics<core_parallel>, #tpu.dimension_semantics<subcore_parallel>], iteration_bounds = array<i64: 2, 16>, scalar_prefetch = 0 : i64, scratch_operands = 8 : i64, tpu.core_type = #tpu.core_type<sc_vector_subcore>, window_params = [{transform_indices = #map}, {transform_indices = #map}]} {
    %mul3A = arith.constant 2 : i32
    %mul3A_0 = arith.muli %arg1, %mul3A : i32
    %add3A = arith.addi %mul3A_0, %arg0 : i32
    %mul3A_1 = arith.constant 128 : i32
    %mul3A_2 = arith.muli %add3A, %mul3A_1 : i32
    %iota3A = tpu.iota {dimensions = array<i32: 0>} : vector<16xi32>
    %mul3A_3 = arith.constant 2 : i32
    %mul3A_4 = vector.broadcast %mul3A_3 : i32 to vector<16xi32>
    %mul3A_5 = arith.muli %iota3A, %mul3A_4 : vector<16xi32>
    %dma_start3A = arith.constant 0 : i32
    %dma_start3A_6 = tpu.memref_slice %arg2[%mul3A_2, %dma_start3A] : memref<4096x8704xf32, #tpu.memory_space<hbm>> -> memref<1x8704xf32, #tpu.memory_space<hbm>>
    %dma_start3A_7 = tpu.memref_squeeze %dma_start3A_6 : memref<1x8704xf32, #tpu.memory_space<hbm>> -> memref<8704xf32, #tpu.memory_space<hbm>>
    %dma_start3A_8 = arith.constant 0 : i32
    %dma_start3A_9 = tpu.memref_slice %arg2[%mul3A_2, %dma_start3A_8] : memref<4096x8704xf32, #tpu.memory_space<hbm>> -> memref<1x8704xf32, #tpu.memory_space<hbm>>
    %dma_start3A_10 = tpu.memref_squeeze %dma_start3A_9 : memref<1x8704xf32, #tpu.memory_space<hbm>> -> memref<8704xf32, #tpu.memory_space<hbm>>
    tpu.enqueue_dma source(%dma_start3A_10 : memref<8704xf32, #tpu.memory_space<hbm>>) target(%arg4 : memref<8704xf32, #tpu.memory_space<vmem>>) target_semaphore(%arg8 : memref<!tpu.dma_semaphore, #tpu.memory_space<semaphore_mem>>)
    %add3A_11 = arith.constant 1 : i32
    %add3A_12 = arith.addi %mul3A_2, %add3A_11 : i32
    %dma_start3A_13 = arith.constant 0 : i32
    %dma_start3A_14 = tpu.memref_slice %arg2[%add3A_12, %dma_start3A_13] : memref<4096x8704xf32, #tpu.memory_space<hbm>> -> memref<1x8704xf32, #tpu.memory_space<hbm>>
    %dma_start3A_15 = tpu.memref_squeeze %dma_start3A_14 : memref<1x8704xf32, #tpu.memory_space<hbm>> -> memref<8704xf32, #tpu.memory_space<hbm>>
    %dma_start3A_16 = arith.constant 0 : i32
    %dma_start3A_17 = tpu.memref_slice %arg2[%add3A_12, %dma_start3A_16] : memref<4096x8704xf32, #tpu.memory_space<hbm>> -> memref<1x8704xf32, #tpu.memory_space<hbm>>
    %dma_start3A_18 = tpu.memref_squeeze %dma_start3A_17 : memref<1x8704xf32, #tpu.memory_space<hbm>> -> memref<8704xf32, #tpu.memory_space<hbm>>
    tpu.enqueue_dma source(%dma_start3A_18 : memref<8704xf32, #tpu.memory_space<hbm>>) target(%arg5 : memref<8704xf32, #tpu.memory_space<vmem>>) target_semaphore(%arg9 : memref<!tpu.dma_semaphore, #tpu.memory_space<semaphore_mem>>)
    %scan3A = arith.constant 0 : i32
    %scan3A_19 = arith.constant 0 : i32
    %scan3A_20 = arith.constant 64 : i32
    %scan3A_21 = arith.addi %scan3A_19, %scan3A_20 : i32
    %scan3A_22 = arith.constant 1 : i32
    scf.for %scan3A_37 = %scan3A_19 to %scan3A_21 step %scan3A_22  : i32 {
      %mul3A_38 = arith.constant 2 : i32
      %mul3A_39 = arith.muli %mul3A_38, %scan3A_37 : i32
      %add3A_40 = arith.addi %mul3A_2, %mul3A_39 : i32
      %add3A_41 = arith.constant 0 : i32
      %add3A_42 = arith.addi %add3A_40, %add3A_41 : i32
      %dma_wait3A_43 = arith.constant 0 : i32
      %dma_wait3A_44 = tpu.memref_slice %arg2[%add3A_42, %dma_wait3A_43] : memref<4096x8704xf32, #tpu.memory_space<hbm>> -> memref<1x8704xf32, #tpu.memory_space<hbm>>
      %dma_wait3A_45 = tpu.memref_squeeze %dma_wait3A_44 : memref<1x8704xf32, #tpu.memory_space<hbm>> -> memref<8704xf32, #tpu.memory_space<hbm>>
      %dma_wait3A_46 = arith.constant 0 : i32
      %dma_wait3A_47 = tpu.memref_slice %arg2[%add3A_42, %dma_wait3A_46] : memref<4096x8704xf32, #tpu.memory_space<hbm>> -> memref<1x8704xf32, #tpu.memory_space<hbm>>
      %dma_wait3A_48 = tpu.memref_squeeze %dma_wait3A_47 : memref<1x8704xf32, #tpu.memory_space<hbm>> -> memref<8704xf32, #tpu.memory_space<hbm>>
      tpu.wait_dma2 semaphore(%arg8 : memref<!tpu.dma_semaphore, #tpu.memory_space<semaphore_mem>>) src(%dma_wait3A_48 : memref<8704xf32, #tpu.memory_space<hbm>>) dst(%arg4 : memref<8704xf32, #tpu.memory_space<vmem>>)
      %ne3A = arith.constant 0 : i32
      %ne3A_49 = arith.cmpi ne, %scan3A_37, %ne3A : i32
      %convert_element_type3A = arith.extui %ne3A_49 : i1 to i32
      %cond3A = arith.constant 0 : i32
      %cond3A_50 = arith.cmpi ne, %convert_element_type3A, %cond3A : i32
      scf.if %cond3A_50 {
        %dma_wait3A_101 = arith.constant 0 : i32
        %dma_wait3A_102 = tpu.memref_slice %arg3[%add3A_42, %dma_wait3A_101] : memref<4096x8704xf32, #tpu.memory_space<hbm>> -> memref<1x8704xf32, #tpu.memory_space<hbm>>
        %dma_wait3A_103 = tpu.memref_squeeze %dma_wait3A_102 : memref<1x8704xf32, #tpu.memory_space<hbm>> -> memref<8704xf32, #tpu.memory_space<hbm>>
        %dma_wait3A_104 = arith.constant 0 : i32
        %dma_wait3A_105 = tpu.memref_slice %arg3[%add3A_42, %dma_wait3A_104] : memref<4096x8704xf32, #tpu.memory_space<hbm>> -> memref<1x8704xf32, #tpu.memory_space<hbm>>
        %dma_wait3A_106 = tpu.memref_squeeze %dma_wait3A_105 : memref<1x8704xf32, #tpu.memory_space<hbm>> -> memref<8704xf32, #tpu.memory_space<hbm>>
        tpu.wait_dma2 semaphore(%arg10 : memref<!tpu.dma_semaphore, #tpu.memory_space<semaphore_mem>>) src(%arg6 : memref<8704xf32, #tpu.memory_space<vmem>>) dst(%dma_wait3A_106 : memref<8704xf32, #tpu.memory_space<hbm>>)
      } else {
      }
      %scan3A_51 = arith.constant 0 : i32
      %scan3A_52 = arith.constant 0 : i32
      %scan3A_53 = arith.constant 32 : i32
      %scan3A_54 = arith.addi %scan3A_52, %scan3A_53 : i32
      %scan3A_55 = arith.constant 1 : i32
      scf.for %scan3A_101 = %scan3A_52 to %scan3A_54 step %scan3A_55  : i32 {
        %mul3A_102 = arith.constant 16 : i32
        %mul3A_103 = arith.muli %scan3A_101, %mul3A_102 : i32
        %get3A = arith.index_cast %mul3A_103 : i32 to index
        %get3A_104 = tpu.vector_load %arg4[%get3A] {strides = array<i32>} : memref<8704xf32, #tpu.memory_space<vmem>>, vector<16xf32>,
        %mul3A_105 = arith.constant 2 : i32
        %mul3A_106 = arith.muli %mul3A_105, %mul3A_103 : i32
        %add3A_107 = arith.constant 512 : i32
        %add3A_108 = arith.addi %add3A_107, %mul3A_106 : i32
        %add3A_109 = arith.constant 0 : i32
        %add3A_110 = arith.addi %add3A_108, %add3A_109 : i32
        %add3A_111 = vector.broadcast %add3A_110 : i32 to vector<16xi32>
        %add3A_112 = arith.addi %mul3A_5, %add3A_111 : vector<16xi32>
        %gather3A = tpu.vector_load_idx %arg4[%add3A_112] : memref<8704xf32, #tpu.memory_space<vmem>>[vector<16xi32>], vector<16xf32>,
        %add3A_113 = arith.constant 1 : i32
        %add3A_114 = arith.addi %add3A_110, %add3A_113 : i32
        %add3A_115 = vector.broadcast %add3A_114 : i32 to vector<16xi32>
        %add3A_116 = arith.addi %mul3A_5, %add3A_115 : vector<16xi32>
        %gather3A_117 = tpu.vector_load_idx %arg4[%add3A_116] : memref<8704xf32, #tpu.memory_space<vmem>>[vector<16xi32>], vector<16xf32>,
        %add3A_118 = arith.constant 1024 : i32
        %add3A_119 = arith.addi %add3A_108, %add3A_118 : i32
        %add3A_120 = vector.broadcast %add3A_119 : i32 to vector<16xi32>
        %add3A_121 = arith.addi %mul3A_5, %add3A_120 : vector<16xi32>
        %gather3A_122 = tpu.vector_load_idx %arg4[%add3A_121] : memref<8704xf32, #tpu.memory_space<vmem>>[vector<16xi32>], vector<16xf32>,
        %add3A_123 = arith.constant 1 : i32
        %add3A_124 = arith.addi %add3A_119, %add3A_123 : i32
        %add3A_125 = vector.broadcast %add3A_124 : i32 to vector<16xi32>
        %add3A_126 = arith.addi %mul3A_5, %add3A_125 : vector<16xi32>
        %gather3A_127 = tpu.vector_load_idx %arg4[%add3A_126] : memref<8704xf32, #tpu.memory_space<vmem>>[vector<16xi32>], vector<16xf32>,
        %add3A_128 = arith.constant 2048 : i32
        %add3A_129 = arith.addi %add3A_108, %add3A_128 : i32
        %add3A_130 = vector.broadcast %add3A_129 : i32 to vector<16xi32>
        %add3A_131 = arith.addi %mul3A_5, %add3A_130 : vector<16xi32>
        %gather3A_132 = tpu.vector_load_idx %arg4[%add3A_131] : memref<8704xf32, #tpu.memory_space<vmem>>[vector<16xi32>], vector<16xf32>,
        %add3A_133 = arith.constant 1 : i32
        %add3A_134 = arith.addi %add3A_129, %add3A_133 : i32
        %add3A_135 = vector.broadcast %add3A_134 : i32 to vector<16xi32>
        %add3A_136 = arith.addi %mul3A_5, %add3A_135 : vector<16xi32>
        %gather3A_137 = tpu.vector_load_idx %arg4[%add3A_136] : memref<8704xf32, #tpu.memory_space<vmem>>[vector<16xi32>], vector<16xf32>,
        %add3A_138 = arith.constant 3072 : i32
        %add3A_139 = arith.addi %add3A_108, %add3A_138 : i32
        %add3A_140 = vector.broadcast %add3A_139 : i32 to vector<16xi32>
        %add3A_141 = arith.addi %mul3A_5, %add3A_140 : vector<16xi32>
        %gather3A_142 = tpu.vector_load_idx %arg4[%add3A_141] : memref<8704xf32, #tpu.memory_space<vmem>>[vector<16xi32>], vector<16xf32>,
        %add3A_143 = arith.constant 1 : i32
        %add3A_144 = arith.addi %add3A_139, %add3A_143 : i32
        %add3A_145 = vector.broadcast %add3A_144 : i32 to vector<16xi32>
        %add3A_146 = arith.addi %mul3A_5, %add3A_145 : vector<16xi32>
        %gather3A_147 = tpu.vector_load_idx %arg4[%add3A_146] : memref<8704xf32, #tpu.memory_space<vmem>>[vector<16xi32>], vector<16xf32>,
        %add3A_148 = arith.constant 4096 : i32
        %add3A_149 = arith.addi %add3A_108, %add3A_148 : i32
        %add3A_150 = vector.broadcast %add3A_149 : i32 to vector<16xi32>
        %add3A_151 = arith.addi %mul3A_5, %add3A_150 : vector<16xi32>
        %gather3A_152 = tpu.vector_load_idx %arg4[%add3A_151] : memref<8704xf32, #tpu.memory_space<vmem>>[vector<16xi32>], vector<16xf32>,
        %add3A_153 = arith.constant 1 : i32
        %add3A_154 = arith.addi %add3A_149, %add3A_153 : i32
        %add3A_155 = vector.broadcast %add3A_154 : i32 to vector<16xi32>
        %add3A_156 = arith.addi %mul3A_5, %add3A_155 : vector<16xi32>
        %gather3A_157 = tpu.vector_load_idx %arg4[%add3A_156] : memref<8704xf32, #tpu.memory_space<vmem>>[vector<16xi32>], vector<16xf32>,
        %add3A_158 = arith.constant 5120 : i32
        %add3A_159 = arith.addi %add3A_108, %add3A_158 : i32
        %add3A_160 = vector.broadcast %add3A_159 : i32 to vector<16xi32>
        %add3A_161 = arith.addi %mul3A_5, %add3A_160 : vector<16xi32>
        %gather3A_162 = tpu.vector_load_idx %arg4[%add3A_161] : memref<8704xf32, #tpu.memory_space<vmem>>[vector<16xi32>], vector<16xf32>,
        %add3A_163 = arith.constant 1 : i32
        %add3A_164 = arith.addi %add3A_159, %add3A_163 : i32
        %add3A_165 = vector.broadcast %add3A_164 : i32 to vector<16xi32>
        %add3A_166 = arith.addi %mul3A_5, %add3A_165 : vector<16xi32>
        %gather3A_167 = tpu.vector_load_idx %arg4[%add3A_166] : memref<8704xf32, #tpu.memory_space<vmem>>[vector<16xi32>], vector<16xf32>,
        %add3A_168 = arith.constant 6144 : i32
        %add3A_169 = arith.addi %add3A_108, %add3A_168 : i32
        %add3A_170 = vector.broadcast %add3A_169 : i32 to vector<16xi32>
        %add3A_171 = arith.addi %mul3A_5, %add3A_170 : vector<16xi32>
        %gather3A_172 = tpu.vector_load_idx %arg4[%add3A_171] : memref<8704xf32, #tpu.memory_space<vmem>>[vector<16xi32>], vector<16xf32>,
        %add3A_173 = arith.constant 1 : i32
        %add3A_174 = arith.addi %add3A_169, %add3A_173 : i32
        %add3A_175 = vector.broadcast %add3A_174 : i32 to vector<16xi32>
        %add3A_176 = arith.addi %mul3A_5, %add3A_175 : vector<16xi32>
        %gather3A_177 = tpu.vector_load_idx %arg4[%add3A_176] : memref<8704xf32, #tpu.memory_space<vmem>>[vector<16xi32>], vector<16xf32>,
        %add3A_178 = arith.constant 7168 : i32
        %add3A_179 = arith.addi %add3A_108, %add3A_178 : i32
        %add3A_180 = vector.broadcast %add3A_179 : i32 to vector<16xi32>
        %add3A_181 = arith.addi %mul3A_5, %add3A_180 : vector<16xi32>
        %gather3A_182 = tpu.vector_load_idx %arg4[%add3A_181] : memref<8704xf32, #tpu.memory_space<vmem>>[vector<16xi32>], vector<16xf32>,
        %mul3A_183 = arith.constant 2.000000e+00 : f32
        %mul3A_184 = vector.broadcast %mul3A_183 : f32 to vector<16xf32>
        %mul3A_185 = arith.mulf %mul3A_184, %gather3A : vector<16xf32>
        %mul3A_186 = arith.constant 2.000000e+00 : f32
        %mul3A_187 = vector.broadcast %mul3A_186 : f32 to vector<16xf32>
        %mul3A_188 = arith.mulf %mul3A_187, %gather3A_117 : vector<16xf32>
        %mul3A_189 = arith.constant 2.000000e+00 : f32
        %mul3A_190 = vector.broadcast %mul3A_189 : f32 to vector<16xf32>
        %mul3A_191 = arith.mulf %mul3A_190, %gather3A_122 : vector<16xf32>
        %mul3A_192 = arith.constant 2.000000e+00 : f32
        %mul3A_193 = vector.broadcast %mul3A_192 : f32 to vector<16xf32>
        %mul3A_194 = arith.mulf %mul3A_193, %gather3A_127 : vector<16xf32>
        %mul3A_195 = arith.constant 2.000000e+00 : f32
        %mul3A_196 = vector.broadcast %mul3A_195 : f32 to vector<16xf32>
        %mul3A_197 = arith.mulf %mul3A_196, %gather3A_132 : vector<16xf32>
        %mul3A_198 = arith.constant 2.000000e+00 : f32
        %mul3A_199 = vector.broadcast %mul3A_198 : f32 to vector<16xf32>
        %mul3A_200 = arith.mulf %mul3A_199, %gather3A_137 : vector<16xf32>
        %mul3A_201 = arith.constant 2.000000e+00 : f32
        %mul3A_202 = vector.broadcast %mul3A_201 : f32 to vector<16xf32>
        %mul3A_203 = arith.mulf %mul3A_202, %gather3A_142 : vector<16xf32>
        %mul3A_204 = arith.constant 2.000000e+00 : f32
        %mul3A_205 = vector.broadcast %mul3A_204 : f32 to vector<16xf32>
        %mul3A_206 = arith.mulf %mul3A_205, %gather3A_147 : vector<16xf32>
        %mul3A_207 = arith.constant 2.000000e+00 : f32
        %mul3A_208 = vector.broadcast %mul3A_207 : f32 to vector<16xf32>
        %mul3A_209 = arith.mulf %mul3A_208, %gather3A_152 : vector<16xf32>
        %mul3A_210 = arith.constant 2.000000e+00 : f32
        %mul3A_211 = vector.broadcast %mul3A_210 : f32 to vector<16xf32>
        %mul3A_212 = arith.mulf %mul3A_211, %gather3A_157 : vector<16xf32>
        %mul3A_213 = arith.constant 2.000000e+00 : f32
        %mul3A_214 = vector.broadcast %mul3A_213 : f32 to vector<16xf32>
        %mul3A_215 = arith.mulf %mul3A_214, %gather3A_162 : vector<16xf32>
        %mul3A_216 = arith.constant 2.000000e+00 : f32
        %mul3A_217 = vector.broadcast %mul3A_216 : f32 to vector<16xf32>
        %mul3A_218 = arith.mulf %mul3A_217, %gather3A_167 : vector<16xf32>
        %mul3A_219 = arith.constant 2.000000e+00 : f32
        %mul3A_220 = vector.broadcast %mul3A_219 : f32 to vector<16xf32>
        %mul3A_221 = arith.mulf %mul3A_220, %gather3A_172 : vector<16xf32>
        %mul3A_222 = arith.constant 2.000000e+00 : f32
        %mul3A_223 = vector.broadcast %mul3A_222 : f32 to vector<16xf32>
        %mul3A_224 = arith.mulf %mul3A_223, %gather3A_177 : vector<16xf32>
        %add3A_225 = arith.addf %get3A_104, %gather3A_182 : vector<16xf32>
        %sub3A = arith.subf %get3A_104, %gather3A_182 : vector<16xf32>
        %add3A_226 = arith.addf %add3A_225, %mul3A_203 : vector<16xf32>
        %sub3A_227 = arith.subf %add3A_225, %mul3A_203 : vector<16xf32>
        %sub3A_228 = arith.subf %sub3A, %mul3A_206 : vector<16xf32>
        %add3A_229 = arith.addf %sub3A, %mul3A_206 : vector<16xf32>
        %add3A_230 = arith.addf %mul3A_191, %mul3A_215 : vector<16xf32>
        %sub3A_231 = arith.subf %mul3A_191, %mul3A_215 : vector<16xf32>
        %add3A_232 = arith.addf %mul3A_194, %mul3A_218 : vector<16xf32>
        %sub3A_233 = arith.subf %sub3A_231, %add3A_232 : vector<16xf32>
        %mul3A_234 = arith.constant 0.707106769 : f32
        %mul3A_235 = vector.broadcast %mul3A_234 : f32 to vector<16xf32>
        %mul3A_236 = arith.mulf %mul3A_235, %sub3A_233 : vector<16xf32>
        %sub3A_237 = arith.subf %mul3A_218, %mul3A_194 : vector<16xf32>
        %add3A_238 = arith.addf %sub3A_231, %add3A_232 : vector<16xf32>
        %mul3A_239 = arith.constant 0.707106769 : f32
        %mul3A_240 = vector.broadcast %mul3A_239 : f32 to vector<16xf32>
        %mul3A_241 = arith.mulf %mul3A_240, %add3A_238 : vector<16xf32>
        %add3A_242 = arith.addf %add3A_226, %add3A_230 : vector<16xf32>
        %add3A_243 = arith.addf %sub3A_228, %mul3A_236 : vector<16xf32>
        %add3A_244 = arith.addf %sub3A_227, %sub3A_237 : vector<16xf32>
        %sub3A_245 = arith.subf %add3A_229, %mul3A_241 : vector<16xf32>
        %sub3A_246 = arith.subf %add3A_226, %add3A_230 : vector<16xf32>
        %sub3A_247 = arith.subf %sub3A_228, %mul3A_236 : vector<16xf32>
        %sub3A_248 = arith.subf %sub3A_227, %sub3A_237 : vector<16xf32>
        %add3A_249 = arith.addf %add3A_229, %mul3A_241 : vector<16xf32>
        %add3A_250 = arith.addf %mul3A_185, %mul3A_197 : vector<16xf32>
        %add3A_251 = arith.addf %mul3A_209, %mul3A_221 : vector<16xf32>
        %add3A_252 = arith.addf %add3A_250, %add3A_251 : vector<16xf32>
        %sub3A_253 = arith.subf %mul3A_200, %mul3A_188 : vector<16xf32>
        %sub3A_254 = arith.subf %mul3A_224, %mul3A_212 : vector<16xf32>
        %add3A_255 = arith.addf %sub3A_253, %sub3A_254 : vector<16xf32>
        %sub3A_256 = arith.subf %mul3A_185, %mul3A_221 : vector<16xf32>
        %sub3A_257 = arith.subf %mul3A_197, %mul3A_209 : vector<16xf32>
        %add3A_258 = arith.addf %mul3A_188, %mul3A_224 : vector<16xf32>
        %add3A_259 = arith.addf %mul3A_200, %mul3A_212 : vector<16xf32>
        %mul3A_260 = arith.constant 0.923879504 : f32
        %mul3A_261 = vector.broadcast %mul3A_260 : f32 to vector<16xf32>
        %mul3A_262 = arith.mulf %mul3A_261, %sub3A_256 : vector<16xf32>
        %mul3A_263 = arith.constant 0.382683426 : f32
        %mul3A_264 = vector.broadcast %mul3A_263 : f32 to vector<16xf32>
        %mul3A_265 = arith.mulf %mul3A_264, %sub3A_257 : vector<16xf32>
        %add3A_266 = arith.addf %mul3A_262, %mul3A_265 : vector<16xf32>
        %mul3A_267 = arith.constant 0.382683426 : f32
        %mul3A_268 = vector.broadcast %mul3A_267 : f32 to vector<16xf32>
        %mul3A_269 = arith.mulf %mul3A_268, %add3A_258 : vector<16xf32>
        %mul3A_270 = arith.constant 0.923879504 : f32
        %mul3A_271 = vector.broadcast %mul3A_270 : f32 to vector<16xf32>
        %mul3A_272 = arith.mulf %mul3A_271, %add3A_259 : vector<16xf32>
        %add3A_273 = arith.addf %mul3A_269, %mul3A_272 : vector<16xf32>
        %mul3A_274 = arith.constant 0.382683426 : f32
        %mul3A_275 = vector.broadcast %mul3A_274 : f32 to vector<16xf32>
        %mul3A_276 = arith.mulf %mul3A_275, %sub3A_256 : vector<16xf32>
        %mul3A_277 = arith.constant 0.923879504 : f32
        %mul3A_278 = vector.broadcast %mul3A_277 : f32 to vector<16xf32>
        %mul3A_279 = arith.mulf %mul3A_278, %sub3A_257 : vector<16xf32>
        %sub3A_280 = arith.subf %mul3A_276, %mul3A_279 : vector<16xf32>
        %mul3A_281 = arith.constant 0.923879504 : f32
        %mul3A_282 = vector.broadcast %mul3A_281 : f32 to vector<16xf32>
        %mul3A_283 = arith.mulf %mul3A_282, %add3A_258 : vector<16xf32>
        %mul3A_284 = arith.constant 0.382683426 : f32
        %mul3A_285 = vector.broadcast %mul3A_284 : f32 to vector<16xf32>
        %mul3A_286 = arith.mulf %mul3A_285, %add3A_259 : vector<16xf32>
        %sub3A_287 = arith.subf %mul3A_283, %mul3A_286 : vector<16xf32>
        %add3A_288 = arith.addf %mul3A_185, %mul3A_221 : vector<16xf32>
        %add3A_289 = arith.addf %mul3A_197, %mul3A_209 : vector<16xf32>
        %sub3A_290 = arith.subf %add3A_288, %add3A_289 : vector<16xf32>
        %mul3A_291 = arith.constant 0.707106769 : f32
        %mul3A_292 = vector.broadcast %mul3A_291 : f32 to vector<16xf32>
        %mul3A_293 = arith.mulf %mul3A_292, %sub3A_290 : vector<16xf32>
        %add3A_294 = arith.addf %mul3A_188, %mul3A_200 : vector<16xf32>
        %add3A_295 = arith.addf %mul3A_212, %mul3A_224 : vector<16xf32>
        %sub3A_296 = arith.subf %add3A_294, %add3A_295 : vector<16xf32>
        %mul3A_297 = arith.constant 0.707106769 : f32
        %mul3A_298 = vector.broadcast %mul3A_297 : f32 to vector<16xf32>
        %mul3A_299 = arith.mulf %mul3A_298, %sub3A_296 : vector<16xf32>
        %sub3A_300 = arith.subf %add3A_266, %add3A_273 : vector<16xf32>
        %add3A_301 = arith.addf %add3A_266, %add3A_273 : vector<16xf32>
        %sub3A_302 = arith.subf %mul3A_293, %mul3A_299 : vector<16xf32>
        %add3A_303 = arith.addf %mul3A_293, %mul3A_299 : vector<16xf32>
        %sub3A_304 = arith.subf %sub3A_280, %sub3A_287 : vector<16xf32>
        %add3A_305 = arith.addf %sub3A_280, %sub3A_287 : vector<16xf32>
        %add3A_306 = arith.addf %add3A_242, %add3A_252 : vector<16xf32>
        %sub3A_307 = arith.subf %add3A_242, %add3A_252 : vector<16xf32>
        %add3A_308 = arith.addf %add3A_243, %sub3A_300 : vector<16xf32>
        %sub3A_309 = arith.subf %add3A_243, %sub3A_300 : vector<16xf32>
        %add3A_310 = arith.addf %add3A_244, %sub3A_302 : vector<16xf32>
        %sub3A_311 = arith.subf %add3A_244, %sub3A_302 : vector<16xf32>
        %add3A_312 = arith.addf %sub3A_245, %sub3A_304 : vector<16xf32>
        %sub3A_313 = arith.subf %sub3A_245, %sub3A_304 : vector<16xf32>
        %add3A_314 = arith.addf %sub3A_246, %add3A_255 : vector<16xf32>
        %sub3A_315 = arith.subf %sub3A_246, %add3A_255 : vector<16xf32>
        %sub3A_316 = arith.subf %sub3A_247, %add3A_305 : vector<16xf32>
        %add3A_317 = arith.addf %sub3A_247, %add3A_305 : vector<16xf32>
        %sub3A_318 = arith.subf %sub3A_248, %add3A_303 : vector<16xf32>
        %add3A_319 = arith.addf %sub3A_248, %add3A_303 : vector<16xf32>
        %sub3A_320 = arith.subf %add3A_249, %add3A_301 : vector<16xf32>
        %add3A_321 = arith.addf %add3A_249, %add3A_301 : vector<16xf32>
        %max3A = arith.constant 0.000000e+00 : f32
        %max3A_322 = vector.broadcast %max3A : f32 to vector<16xf32>
        %max3A_323 = arith.maximumf %add3A_306, %max3A_322 : vector<16xf32>
        %mul3A_324 = arith.constant 6.250000e-02 : f32
        %mul3A_325 = vector.broadcast %mul3A_324 : f32 to vector<16xf32>
        %mul3A_326 = arith.mulf %max3A_323, %mul3A_325 : vector<16xf32>
        %max3A_327 = arith.constant 0.000000e+00 : f32
        %max3A_328 = vector.broadcast %max3A_327 : f32 to vector<16xf32>
        %max3A_329 = arith.maximumf %add3A_308, %max3A_328 : vector<16xf32>
        %mul3A_330 = arith.constant 6.250000e-02 : f32
        %mul3A_331 = vector.broadcast %mul3A_330 : f32 to vector<16xf32>
        %mul3A_332 = arith.mulf %max3A_329, %mul3A_331 : vector<16xf32>
        %max3A_333 = arith.constant 0.000000e+00 : f32
        %max3A_334 = vector.broadcast %max3A_333 : f32 to vector<16xf32>
        %max3A_335 = arith.maximumf %add3A_310, %max3A_334 : vector<16xf32>
        %mul3A_336 = arith.constant 6.250000e-02 : f32
        %mul3A_337 = vector.broadcast %mul3A_336 : f32 to vector<16xf32>
        %mul3A_338 = arith.mulf %max3A_335, %mul3A_337 : vector<16xf32>
        %max3A_339 = arith.constant 0.000000e+00 : f32
        %max3A_340 = vector.broadcast %max3A_339 : f32 to vector<16xf32>
        %max3A_341 = arith.maximumf %add3A_312, %max3A_340 : vector<16xf32>
        %mul3A_342 = arith.constant 6.250000e-02 : f32
        %mul3A_343 = vector.broadcast %mul3A_342 : f32 to vector<16xf32>
        %mul3A_344 = arith.mulf %max3A_341, %mul3A_343 : vector<16xf32>
        %max3A_345 = arith.constant 0.000000e+00 : f32
        %max3A_346 = vector.broadcast %max3A_345 : f32 to vector<16xf32>
        %max3A_347 = arith.maximumf %add3A_314, %max3A_346 : vector<16xf32>
        %mul3A_348 = arith.constant 6.250000e-02 : f32
        %mul3A_349 = vector.broadcast %mul3A_348 : f32 to vector<16xf32>
        %mul3A_350 = arith.mulf %max3A_347, %mul3A_349 : vector<16xf32>
        %max3A_351 = arith.constant 0.000000e+00 : f32
        %max3A_352 = vector.broadcast %max3A_351 : f32 to vector<16xf32>
        %max3A_353 = arith.maximumf %sub3A_316, %max3A_352 : vector<16xf32>
        %mul3A_354 = arith.constant 6.250000e-02 : f32
        %mul3A_355 = vector.broadcast %mul3A_354 : f32 to vector<16xf32>
        %mul3A_356 = arith.mulf %max3A_353, %mul3A_355 : vector<16xf32>
        %max3A_357 = arith.constant 0.000000e+00 : f32
        %max3A_358 = vector.broadcast %max3A_357 : f32 to vector<16xf32>
        %max3A_359 = arith.maximumf %sub3A_318, %max3A_358 : vector<16xf32>
        %mul3A_360 = arith.constant 6.250000e-02 : f32
        %mul3A_361 = vector.broadcast %mul3A_360 : f32 to vector<16xf32>
        %mul3A_362 = arith.mulf %max3A_359, %mul3A_361 : vector<16xf32>
        %max3A_363 = arith.constant 0.000000e+00 : f32
        %max3A_364 = vector.broadcast %max3A_363 : f32 to vector<16xf32>
        %max3A_365 = arith.maximumf %sub3A_320, %max3A_364 : vector<16xf32>
        %mul3A_366 = arith.constant 6.250000e-02 : f32
        %mul3A_367 = vector.broadcast %mul3A_366 : f32 to vector<16xf32>
        %mul3A_368 = arith.mulf %max3A_365, %mul3A_367 : vector<16xf32>
        %max3A_369 = arith.constant 0.000000e+00 : f32
        %max3A_370 = vector.broadcast %max3A_369 : f32 to vector<16xf32>
        %max3A_371 = arith.maximumf %sub3A_307, %max3A_370 : vector<16xf32>
        %mul3A_372 = arith.constant 6.250000e-02 : f32
        %mul3A_373 = vector.broadcast %mul3A_372 : f32 to vector<16xf32>
        %mul3A_374 = arith.mulf %max3A_371, %mul3A_373 : vector<16xf32>
        %max3A_375 = arith.constant 0.000000e+00 : f32
        %max3A_376 = vector.broadcast %max3A_375 : f32 to vector<16xf32>
        %max3A_377 = arith.maximumf %sub3A_309, %max3A_376 : vector<16xf32>
        %mul3A_378 = arith.constant 6.250000e-02 : f32
        %mul3A_379 = vector.broadcast %mul3A_378 : f32 to vector<16xf32>
        %mul3A_380 = arith.mulf %max3A_377, %mul3A_379 : vector<16xf32>
        %max3A_381 = arith.constant 0.000000e+00 : f32
        %max3A_382 = vector.broadcast %max3A_381 : f32 to vector<16xf32>
        %max3A_383 = arith.maximumf %sub3A_311, %max3A_382 : vector<16xf32>
        %mul3A_384 = arith.constant 6.250000e-02 : f32
        %mul3A_385 = vector.broadcast %mul3A_384 : f32 to vector<16xf32>
        %mul3A_386 = arith.mulf %max3A_383, %mul3A_385 : vector<16xf32>
        %max3A_387 = arith.constant 0.000000e+00 : f32
        %max3A_388 = vector.broadcast %max3A_387 : f32 to vector<16xf32>
        %max3A_389 = arith.maximumf %sub3A_313, %max3A_388 : vector<16xf32>
        %mul3A_390 = arith.constant 6.250000e-02 : f32
        %mul3A_391 = vector.broadcast %mul3A_390 : f32 to vector<16xf32>
        %mul3A_392 = arith.mulf %max3A_389, %mul3A_391 : vector<16xf32>
        %max3A_393 = arith.constant 0.000000e+00 : f32
        %max3A_394 = vector.broadcast %max3A_393 : f32 to vector<16xf32>
        %max3A_395 = arith.maximumf %sub3A_315, %max3A_394 : vector<16xf32>
        %mul3A_396 = arith.constant 6.250000e-02 : f32
        %mul3A_397 = vector.broadcast %mul3A_396 : f32 to vector<16xf32>
        %mul3A_398 = arith.mulf %max3A_395, %mul3A_397 : vector<16xf32>
        %max3A_399 = arith.constant 0.000000e+00 : f32
        %max3A_400 = vector.broadcast %max3A_399 : f32 to vector<16xf32>
        %max3A_401 = arith.maximumf %add3A_317, %max3A_400 : vector<16xf32>
        %mul3A_402 = arith.constant 6.250000e-02 : f32
        %mul3A_403 = vector.broadcast %mul3A_402 : f32 to vector<16xf32>
        %mul3A_404 = arith.mulf %max3A_401, %mul3A_403 : vector<16xf32>
        %max3A_405 = arith.constant 0.000000e+00 : f32
        %max3A_406 = vector.broadcast %max3A_405 : f32 to vector<16xf32>
        %max3A_407 = arith.maximumf %add3A_319, %max3A_406 : vector<16xf32>
        %mul3A_408 = arith.constant 6.250000e-02 : f32
        %mul3A_409 = vector.broadcast %mul3A_408 : f32 to vector<16xf32>
        %mul3A_410 = arith.mulf %max3A_407, %mul3A_409 : vector<16xf32>
        %max3A_411 = arith.constant 0.000000e+00 : f32
        %max3A_412 = vector.broadcast %max3A_411 : f32 to vector<16xf32>
        %max3A_413 = arith.maximumf %add3A_321, %max3A_412 : vector<16xf32>
        %mul3A_414 = arith.constant 6.250000e-02 : f32
        %mul3A_415 = vector.broadcast %mul3A_414 : f32 to vector<16xf32>
        %mul3A_416 = arith.mulf %max3A_413, %mul3A_415 : vector<16xf32>
        %add3A_417 = arith.addf %mul3A_332, %mul3A_416 : vector<16xf32>
        %add3A_418 = arith.addf %mul3A_338, %mul3A_410 : vector<16xf32>
        %add3A_419 = arith.addf %mul3A_344, %mul3A_404 : vector<16xf32>
        %add3A_420 = arith.addf %mul3A_350, %mul3A_398 : vector<16xf32>
        %add3A_421 = arith.addf %mul3A_356, %mul3A_392 : vector<16xf32>
        %add3A_422 = arith.addf %mul3A_362, %mul3A_386 : vector<16xf32>
        %add3A_423 = arith.addf %mul3A_368, %mul3A_380 : vector<16xf32>
        %sub3A_424 = arith.subf %mul3A_332, %mul3A_416 : vector<16xf32>
        %sub3A_425 = arith.subf %mul3A_338, %mul3A_410 : vector<16xf32>
        %sub3A_426 = arith.subf %mul3A_344, %mul3A_404 : vector<16xf32>
        %sub3A_427 = arith.subf %mul3A_350, %mul3A_398 : vector<16xf32>
        %sub3A_428 = arith.subf %mul3A_356, %mul3A_392 : vector<16xf32>
        %sub3A_429 = arith.subf %mul3A_362, %mul3A_386 : vector<16xf32>
        %sub3A_430 = arith.subf %mul3A_368, %mul3A_380 : vector<16xf32>
        %add3A_431 = arith.addf %mul3A_326, %mul3A_374 : vector<16xf32>
        %sub3A_432 = arith.subf %mul3A_326, %mul3A_374 : vector<16xf32>
        %add3A_433 = arith.addf %add3A_418, %add3A_422 : vector<16xf32>
        %add3A_434 = arith.addf %add3A_431, %add3A_420 : vector<16xf32>
        %add3A_435 = arith.addf %add3A_434, %add3A_433 : vector<16xf32>
        %sub3A_436 = arith.subf %add3A_434, %add3A_433 : vector<16xf32>
        %sub3A_437 = arith.subf %add3A_431, %add3A_420 : vector<16xf32>
        %sub3A_438 = arith.subf %add3A_418, %add3A_422 : vector<16xf32>
        %mul3A_439 = arith.constant 0.707106769 : f32
        %mul3A_440 = vector.broadcast %mul3A_439 : f32 to vector<16xf32>
        %mul3A_441 = arith.mulf %mul3A_440, %sub3A_438 : vector<16xf32>
        %add3A_442 = arith.addf %sub3A_432, %mul3A_441 : vector<16xf32>
        %sub3A_443 = arith.subf %sub3A_432, %mul3A_441 : vector<16xf32>
        %add3A_444 = arith.addf %add3A_417, %add3A_419 : vector<16xf32>
        %add3A_445 = arith.addf %add3A_421, %add3A_423 : vector<16xf32>
        %add3A_446 = arith.addf %add3A_444, %add3A_445 : vector<16xf32>
        %sub3A_447 = arith.subf %add3A_417, %add3A_423 : vector<16xf32>
        %sub3A_448 = arith.subf %add3A_419, %add3A_421 : vector<16xf32>
        %mul3A_449 = arith.constant 0.923879504 : f32
        %mul3A_450 = vector.broadcast %mul3A_449 : f32 to vector<16xf32>
        %mul3A_451 = arith.mulf %mul3A_450, %sub3A_447 : vector<16xf32>
        %mul3A_452 = arith.constant 0.382683426 : f32
        %mul3A_453 = vector.broadcast %mul3A_452 : f32 to vector<16xf32>
        %mul3A_454 = arith.mulf %mul3A_453, %sub3A_448 : vector<16xf32>
        %add3A_455 = arith.addf %mul3A_451, %mul3A_454 : vector<16xf32>
        %mul3A_456 = arith.constant 0.382683426 : f32
        %mul3A_457 = vector.broadcast %mul3A_456 : f32 to vector<16xf32>
        %mul3A_458 = arith.mulf %mul3A_457, %sub3A_447 : vector<16xf32>
        %mul3A_459 = arith.constant 0.923879504 : f32
        %mul3A_460 = vector.broadcast %mul3A_459 : f32 to vector<16xf32>
        %mul3A_461 = arith.mulf %mul3A_460, %sub3A_448 : vector<16xf32>
        %sub3A_462 = arith.subf %mul3A_458, %mul3A_461 : vector<16xf32>
        %add3A_463 = arith.addf %add3A_417, %add3A_423 : vector<16xf32>
        %add3A_464 = arith.addf %add3A_419, %add3A_421 : vector<16xf32>
        %sub3A_465 = arith.subf %add3A_463, %add3A_464 : vector<16xf32>
        %mul3A_466 = arith.constant 0.707106769 : f32
        %mul3A_467 = vector.broadcast %mul3A_466 : f32 to vector<16xf32>
        %mul3A_468 = arith.mulf %mul3A_467, %sub3A_465 : vector<16xf32>
        %add3A_469 = arith.addf %add3A_435, %add3A_446 : vector<16xf32>
        %add3A_470 = arith.addf %add3A_442, %add3A_455 : vector<16xf32>
        %add3A_471 = arith.addf %sub3A_437, %mul3A_468 : vector<16xf32>
        %add3A_472 = arith.addf %sub3A_443, %sub3A_462 : vector<16xf32>
        %sub3A_473 = arith.subf %sub3A_443, %sub3A_462 : vector<16xf32>
        %sub3A_474 = arith.subf %sub3A_437, %mul3A_468 : vector<16xf32>
        %sub3A_475 = arith.subf %add3A_442, %add3A_455 : vector<16xf32>
        %sub3A_476 = arith.subf %add3A_435, %add3A_446 : vector<16xf32>
        %add3A_477 = arith.addf %sub3A_425, %sub3A_429 : vector<16xf32>
        %mul3A_478 = arith.constant -0.707106769 : f32
        %mul3A_479 = vector.broadcast %mul3A_478 : f32 to vector<16xf32>
        %mul3A_480 = arith.mulf %mul3A_479, %add3A_477 : vector<16xf32>
        %sub3A_481 = arith.subf %mul3A_480, %sub3A_427 : vector<16xf32>
        %add3A_482 = arith.addf %mul3A_480, %sub3A_427 : vector<16xf32>
        %sub3A_483 = arith.subf %sub3A_429, %sub3A_425 : vector<16xf32>
        %add3A_484 = arith.addf %sub3A_424, %sub3A_430 : vector<16xf32>
        %add3A_485 = arith.addf %sub3A_426, %sub3A_428 : vector<16xf32>
        %mul3A_486 = arith.constant -0.382683426 : f32
        %mul3A_487 = vector.broadcast %mul3A_486 : f32 to vector<16xf32>
        %mul3A_488 = arith.mulf %mul3A_487, %add3A_484 : vector<16xf32>
        %mul3A_489 = arith.constant -0.923879504 : f32
        %mul3A_490 = vector.broadcast %mul3A_489 : f32 to vector<16xf32>
        %mul3A_491 = arith.mulf %mul3A_490, %add3A_485 : vector<16xf32>
        %add3A_492 = arith.addf %mul3A_488, %mul3A_491 : vector<16xf32>
        %mul3A_493 = arith.constant -0.923879504 : f32
        %mul3A_494 = vector.broadcast %mul3A_493 : f32 to vector<16xf32>
        %mul3A_495 = arith.mulf %mul3A_494, %add3A_484 : vector<16xf32>
        %mul3A_496 = arith.constant 0.382683426 : f32
        %mul3A_497 = vector.broadcast %mul3A_496 : f32 to vector<16xf32>
        %mul3A_498 = arith.mulf %mul3A_497, %add3A_485 : vector<16xf32>
        %add3A_499 = arith.addf %mul3A_495, %mul3A_498 : vector<16xf32>
        %add3A_500 = arith.addf %sub3A_424, %sub3A_426 : vector<16xf32>
        %add3A_501 = arith.addf %sub3A_428, %sub3A_430 : vector<16xf32>
        %sub3A_502 = arith.subf %add3A_500, %add3A_501 : vector<16xf32>
        %mul3A_503 = arith.constant -0.707106769 : f32
        %mul3A_504 = vector.broadcast %mul3A_503 : f32 to vector<16xf32>
        %mul3A_505 = arith.mulf %mul3A_504, %sub3A_502 : vector<16xf32>
        %sub3A_506 = arith.subf %sub3A_426, %sub3A_424 : vector<16xf32>
        %sub3A_507 = arith.subf %sub3A_430, %sub3A_428 : vector<16xf32>
        %add3A_508 = arith.addf %sub3A_506, %sub3A_507 : vector<16xf32>
        %add3A_509 = arith.addf %sub3A_481, %add3A_492 : vector<16xf32>
        %add3A_510 = arith.addf %sub3A_483, %mul3A_505 : vector<16xf32>
        %add3A_511 = arith.addf %add3A_482, %add3A_499 : vector<16xf32>
        %sub3A_512 = arith.subf %add3A_499, %add3A_482 : vector<16xf32>
        %sub3A_513 = arith.subf %mul3A_505, %sub3A_483 : vector<16xf32>
        %sub3A_514 = arith.subf %add3A_492, %sub3A_481 : vector<16xf32>
        %swap3A = arith.index_cast %mul3A_103 : i32 to index
        %swap3A_515 = tpu.vector_load %arg6[%swap3A] {strides = array<i32>} : memref<8704xf32, #tpu.memory_space<vmem>>, vector<16xf32>,
        tpu.vector_store %arg6[%swap3A], %add3A_469 {strides = array<i32>} : memref<8704xf32, #tpu.memory_space<vmem>>, vector<16xf32>,
        %mul3A_516 = arith.constant 0.000000e+00 : f32
        %mul3A_517 = vector.broadcast %mul3A_516 : f32 to vector<16xf32>
        %mul3A_518 = arith.mulf %mul3A_326, %mul3A_517 : vector<16xf32>
        %add3A_519 = arith.constant 0 : i32
        %add3A_520 = arith.addi %add3A_108, %add3A_519 : i32
        %add3A_521 = vector.broadcast %add3A_520 : i32 to vector<16xi32>
        %add3A_522 = arith.addi %mul3A_5, %add3A_521 : vector<16xi32>
        tpu.vector_store_idx %arg6[%add3A_522], %add3A_470 : memref<8704xf32, #tpu.memory_space<vmem>>[vector<16xi32>], vector<16xf32>,
        %add3A_523 = arith.constant 1 : i32
        %add3A_524 = arith.addi %add3A_520, %add3A_523 : i32
        %add3A_525 = vector.broadcast %add3A_524 : i32 to vector<16xi32>
        %add3A_526 = arith.addi %mul3A_5, %add3A_525 : vector<16xi32>
        tpu.vector_store_idx %arg6[%add3A_526], %add3A_509 : memref<8704xf32, #tpu.memory_space<vmem>>[vector<16xi32>], vector<16xf32>,
        %add3A_527 = arith.constant 1024 : i32
        %add3A_528 = arith.addi %add3A_108, %add3A_527 : i32
        %add3A_529 = vector.broadcast %add3A_528 : i32 to vector<16xi32>
        %add3A_530 = arith.addi %mul3A_5, %add3A_529 : vector<16xi32>
        tpu.vector_store_idx %arg6[%add3A_530], %add3A_471 : memref<8704xf32, #tpu.memory_space<vmem>>[vector<16xi32>], vector<16xf32>,
        %add3A_531 = arith.constant 1 : i32
        %add3A_532 = arith.addi %add3A_528, %add3A_531 : i32
        %add3A_533 = vector.broadcast %add3A_532 : i32 to vector<16xi32>
        %add3A_534 = arith.addi %mul3A_5, %add3A_533 : vector<16xi32>
        tpu.vector_store_idx %arg6[%add3A_534], %add3A_510 : memref<8704xf32, #tpu.memory_space<vmem>>[vector<16xi32>], vector<16xf32>,
        %add3A_535 = arith.constant 2048 : i32
        %add3A_536 = arith.addi %add3A_108, %add3A_535 : i32
        %add3A_537 = vector.broadcast %add3A_536 : i32 to vector<16xi32>
        %add3A_538 = arith.addi %mul3A_5, %add3A_537 : vector<16xi32>
        tpu.vector_store_idx %arg6[%add3A_538], %add3A_472 : memref<8704xf32, #tpu.memory_space<vmem>>[vector<16xi32>], vector<16xf32>,
        %add3A_539 = arith.constant 1 : i32
        %add3A_540 = arith.addi %add3A_536, %add3A_539 : i32
        %add3A_541 = vector.broadcast %add3A_540 : i32 to vector<16xi32>
        %add3A_542 = arith.addi %mul3A_5, %add3A_541 : vector<16xi32>
        tpu.vector_store_idx %arg6[%add3A_542], %add3A_511 : memref<8704xf32, #tpu.memory_space<vmem>>[vector<16xi32>], vector<16xf32>,
        %add3A_543 = arith.constant 3072 : i32
        %add3A_544 = arith.addi %add3A_108, %add3A_543 : i32
        %add3A_545 = vector.broadcast %add3A_544 : i32 to vector<16xi32>
        %add3A_546 = arith.addi %mul3A_5, %add3A_545 : vector<16xi32>
        tpu.vector_store_idx %arg6[%add3A_546], %sub3A_436 : memref<8704xf32, #tpu.memory_space<vmem>>[vector<16xi32>], vector<16xf32>,
        %add3A_547 = arith.constant 1 : i32
        %add3A_548 = arith.addi %add3A_544, %add3A_547 : i32
        %add3A_549 = vector.broadcast %add3A_548 : i32 to vector<16xi32>
        %add3A_550 = arith.addi %mul3A_5, %add3A_549 : vector<16xi32>
        tpu.vector_store_idx %arg6[%add3A_550], %add3A_508 : memref<8704xf32, #tpu.memory_space<vmem>>[vector<16xi32>], vector<16xf32>,
        %add3A_551 = arith.constant 4096 : i32
        %add3A_552 = arith.addi %add3A_108, %add3A_551 : i32
        %add3A_553 = vector.broadcast %add3A_552 : i32 to vector<16xi32>
        %add3A_554 = arith.addi %mul3A_5, %add3A_553 : vector<16xi32>
        tpu.vector_store_idx %arg6[%add3A_554], %sub3A_473 : memref<8704xf32, #tpu.memory_space<vmem>>[vector<16xi32>], vector<16xf32>,
        %add3A_555 = arith.constant 1 : i32
        %add3A_556 = arith.addi %add3A_552, %add3A_555 : i32
        %add3A_557 = vector.broadcast %add3A_556 : i32 to vector<16xi32>
        %add3A_558 = arith.addi %mul3A_5, %add3A_557 : vector<16xi32>
        tpu.vector_store_idx %arg6[%add3A_558], %sub3A_512 : memref<8704xf32, #tpu.memory_space<vmem>>[vector<16xi32>], vector<16xf32>,
        %add3A_559 = arith.constant 5120 : i32
        %add3A_560 = arith.addi %add3A_108, %add3A_559 : i32
        %add3A_561 = vector.broadcast %add3A_560 : i32 to vector<16xi32>
        %add3A_562 = arith.addi %mul3A_5, %add3A_561 : vector<16xi32>
        tpu.vector_store_idx %arg6[%add3A_562], %sub3A_474 : memref<8704xf32, #tpu.memory_space<vmem>>[vector<16xi32>], vector<16xf32>,
        %add3A_563 = arith.constant 1 : i32
        %add3A_564 = arith.addi %add3A_560, %add3A_563 : i32
        %add3A_565 = vector.broadcast %add3A_564 : i32 to vector<16xi32>
        %add3A_566 = arith.addi %mul3A_5, %add3A_565 : vector<16xi32>
        tpu.vector_store_idx %arg6[%add3A_566], %sub3A_513 : memref<8704xf32, #tpu.memory_space<vmem>>[vector<16xi32>], vector<16xf32>,
        %add3A_567 = arith.constant 6144 : i32
        %add3A_568 = arith.addi %add3A_108, %add3A_567 : i32
        %add3A_569 = vector.broadcast %add3A_568 : i32 to vector<16xi32>
        %add3A_570 = arith.addi %mul3A_5, %add3A_569 : vector<16xi32>
        tpu.vector_store_idx %arg6[%add3A_570], %sub3A_475 : memref<8704xf32, #tpu.memory_space<vmem>>[vector<16xi32>], vector<16xf32>,
        %add3A_571 = arith.constant 1 : i32
        %add3A_572 = arith.addi %add3A_568, %add3A_571 : i32
        %add3A_573 = vector.broadcast %add3A_572 : i32 to vector<16xi32>
        %add3A_574 = arith.addi %mul3A_5, %add3A_573 : vector<16xi32>
        tpu.vector_store_idx %arg6[%add3A_574], %sub3A_514 : memref<8704xf32, #tpu.memory_space<vmem>>[vector<16xi32>], vector<16xf32>,
        %add3A_575 = arith.constant 7168 : i32
        %add3A_576 = arith.addi %add3A_108, %add3A_575 : i32
        %add3A_577 = vector.broadcast %add3A_576 : i32 to vector<16xi32>
        %add3A_578 = arith.addi %mul3A_5, %add3A_577 : vector<16xi32>
        tpu.vector_store_idx %arg6[%add3A_578], %sub3A_476 : memref<8704xf32, #tpu.memory_space<vmem>>[vector<16xi32>], vector<16xf32>,
        %add3A_579 = arith.constant 1 : i32
        %add3A_580 = arith.addi %add3A_576, %add3A_579 : i32
        %add3A_581 = vector.broadcast %add3A_580 : i32 to vector<16xi32>
        %add3A_582 = arith.addi %mul3A_5, %add3A_581 : vector<16xi32>
        tpu.vector_store_idx %arg6[%add3A_582], %mul3A_518 : memref<8704xf32, #tpu.memory_space<vmem>>[vector<16xi32>], vector<16xf32>,
      }
      %scan3A_56 = arith.constant 32 : i32
      %dma_start3A_57 = arith.constant 0 : i32
      %dma_start3A_58 = tpu.memref_slice %arg3[%add3A_42, %dma_start3A_57] : memref<4096x8704xf32, #tpu.memory_space<hbm>> -> memref<1x8704xf32, #tpu.memory_space<hbm>>
      %dma_start3A_59 = tpu.memref_squeeze %dma_start3A_58 : memref<1x8704xf32, #tpu.memory_space<hbm>> -> memref<8704xf32, #tpu.memory_space<hbm>>
      %dma_start3A_60 = arith.constant 0 : i32
      %dma_start3A_61 = tpu.memref_slice %arg3[%add3A_42, %dma_start3A_60] : memref<4096x8704xf32, #tpu.memory_space<hbm>> -> memref<1x8704xf32, #tpu.memory_space<hbm>>
      %dma_start3A_62 = tpu.memref_squeeze %dma_start3A_61 : memref<1x8704xf32, #tpu.memory_space<hbm>> -> memref<8704xf32, #tpu.memory_space<hbm>>
      tpu.enqueue_dma source(%arg6 : memref<8704xf32, #tpu.memory_space<vmem>>) target(%dma_start3A_62 : memref<8704xf32, #tpu.memory_space<hbm>>) target_semaphore(%arg10 : memref<!tpu.dma_semaphore, #tpu.memory_space<semaphore_mem>>)
      %ne3A_63 = arith.constant 63 : i32
      %ne3A_64 = arith.cmpi ne, %scan3A_37, %ne3A_63 : i32
      %convert_element_type3A_65 = arith.extui %ne3A_64 : i1 to i32
      %cond3A_66 = arith.constant 0 : i32
      %cond3A_67 = arith.cmpi ne, %convert_element_type3A_65, %cond3A_66 : i32
      scf.if %cond3A_67 {
        %add3A_101 = arith.constant 2 : i32
        %add3A_102 = arith.addi %add3A_42, %add3A_101 : i32
        %dma_start3A_103 = arith.constant 0 : i32
        %dma_start3A_104 = tpu.memref_slice %arg2[%add3A_102, %dma_start3A_103] : memref<4096x8704xf32, #tpu.memory_space<hbm>> -> memref<1x8704xf32, #tpu.memory_space<hbm>>
        %dma_start3A_105 = tpu.memref_squeeze %dma_start3A_104 : memref<1x8704xf32, #tpu.memory_space<hbm>> -> memref<8704xf32, #tpu.memory_space<hbm>>
        %dma_start3A_106 = arith.constant 0 : i32
        %dma_start3A_107 = tpu.memref_slice %arg2[%add3A_102, %dma_start3A_106] : memref<4096x8704xf32, #tpu.memory_space<hbm>> -> memref<1x8704xf32, #tpu.memory_space<hbm>>
        %dma_start3A_108 = tpu.memref_squeeze %dma_start3A_107 : memref<1x8704xf32, #tpu.memory_space<hbm>> -> memref<8704xf32, #tpu.memory_space<hbm>>
        tpu.enqueue_dma source(%dma_start3A_108 : memref<8704xf32, #tpu.memory_space<hbm>>) target(%arg4 : memref<8704xf32, #tpu.memory_space<vmem>>) target_semaphore(%arg8 : memref<!tpu.dma_semaphore, #tpu.memory_space<semaphore_mem>>)
      } else {
      }
      %mul3A_68 = arith.constant 2 : i32
      %mul3A_69 = arith.muli %mul3A_68, %scan3A_37 : i32
      %add3A_70 = arith.addi %mul3A_2, %mul3A_69 : i32
      %add3A_71 = arith.constant 1 : i32
      %add3A_72 = arith.addi %add3A_70, %add3A_71 : i32
      %dma_wait3A_73 = arith.constant 0 : i32
      %dma_wait3A_74 = tpu.memref_slice %arg2[%add3A_72, %dma_wait3A_73] : memref<4096x8704xf32, #tpu.memory_space<hbm>> -> memref<1x8704xf32, #tpu.memory_space<hbm>>
      %dma_wait3A_75 = tpu.memref_squeeze %dma_wait3A_74 : memref<1x8704xf32, #tpu.memory_space<hbm>> -> memref<8704xf32, #tpu.memory_space<hbm>>
      %dma_wait3A_76 = arith.constant 0 : i32
      %dma_wait3A_77 = tpu.memref_slice %arg2[%add3A_72, %dma_wait3A_76] : memref<4096x8704xf32, #tpu.memory_space<hbm>> -> memref<1x8704xf32, #tpu.memory_space<hbm>>
      %dma_wait3A_78 = tpu.memref_squeeze %dma_wait3A_77 : memref<1x8704xf32, #tpu.memory_space<hbm>> -> memref<8704xf32, #tpu.memory_space<hbm>>
      tpu.wait_dma2 semaphore(%arg9 : memref<!tpu.dma_semaphore, #tpu.memory_space<semaphore_mem>>) src(%dma_wait3A_78 : memref<8704xf32, #tpu.memory_space<hbm>>) dst(%arg5 : memref<8704xf32, #tpu.memory_space<vmem>>)
      %ne3A_79 = arith.constant 0 : i32
      %ne3A_80 = arith.cmpi ne, %scan3A_37, %ne3A_79 : i32
      %convert_element_type3A_81 = arith.extui %ne3A_80 : i1 to i32
      %cond3A_82 = arith.constant 0 : i32
      %cond3A_83 = arith.cmpi ne, %convert_element_type3A_81, %cond3A_82 : i32
      scf.if %cond3A_83 {
        %dma_wait3A_101 = arith.constant 0 : i32
        %dma_wait3A_102 = tpu.memref_slice %arg3[%add3A_72, %dma_wait3A_101] : memref<4096x8704xf32, #tpu.memory_space<hbm>> -> memref<1x8704xf32, #tpu.memory_space<hbm>>
        %dma_wait3A_103 = tpu.memref_squeeze %dma_wait3A_102 : memref<1x8704xf32, #tpu.memory_space<hbm>> -> memref<8704xf32, #tpu.memory_space<hbm>>
        %dma_wait3A_104 = arith.constant 0 : i32
        %dma_wait3A_105 = tpu.memref_slice %arg3[%add3A_72, %dma_wait3A_104] : memref<4096x8704xf32, #tpu.memory_space<hbm>> -> memref<1x8704xf32, #tpu.memory_space<hbm>>
        %dma_wait3A_106 = tpu.memref_squeeze %dma_wait3A_105 : memref<1x8704xf32, #tpu.memory_space<hbm>> -> memref<8704xf32, #tpu.memory_space<hbm>>
        tpu.wait_dma2 semaphore(%arg11 : memref<!tpu.dma_semaphore, #tpu.memory_space<semaphore_mem>>) src(%arg7 : memref<8704xf32, #tpu.memory_space<vmem>>) dst(%dma_wait3A_106 : memref<8704xf32, #tpu.memory_space<hbm>>)
      } else {
      }
      %scan3A_84 = arith.constant 0 : i32
      %scan3A_85 = arith.constant 0 : i32
      %scan3A_86 = arith.constant 32 : i32
      %scan3A_87 = arith.addi %scan3A_85, %scan3A_86 : i32
      %scan3A_88 = arith.constant 1 : i32
      scf.for %scan3A_101 = %scan3A_85 to %scan3A_87 step %scan3A_88  : i32 {
        %mul3A_102 = arith.constant 16 : i32
        %mul3A_103 = arith.muli %scan3A_101, %mul3A_102 : i32
        %get3A = arith.index_cast %mul3A_103 : i32 to index
        %get3A_104 = tpu.vector_load %arg5[%get3A] {strides = array<i32>} : memref<8704xf32, #tpu.memory_space<vmem>>, vector<16xf32>,
        %mul3A_105 = arith.constant 2 : i32
        %mul3A_106 = arith.muli %mul3A_105, %mul3A_103 : i32
        %add3A_107 = arith.constant 512 : i32
        %add3A_108 = arith.addi %add3A_107, %mul3A_106 : i32
        %add3A_109 = arith.constant 0 : i32
        %add3A_110 = arith.addi %add3A_108, %add3A_109 : i32
        %add3A_111 = vector.broadcast %add3A_110 : i32 to vector<16xi32>
        %add3A_112 = arith.addi %mul3A_5, %add3A_111 : vector<16xi32>
        %gather3A = tpu.vector_load_idx %arg5[%add3A_112] : memref<8704xf32, #tpu.memory_space<vmem>>[vector<16xi32>], vector<16xf32>,
        %add3A_113 = arith.constant 1 : i32
        %add3A_114 = arith.addi %add3A_110, %add3A_113 : i32
        %add3A_115 = vector.broadcast %add3A_114 : i32 to vector<16xi32>
        %add3A_116 = arith.addi %mul3A_5, %add3A_115 : vector<16xi32>
        %gather3A_117 = tpu.vector_load_idx %arg5[%add3A_116] : memref<8704xf32, #tpu.memory_space<vmem>>[vector<16xi32>], vector<16xf32>,
        %add3A_118 = arith.constant 1024 : i32
        %add3A_119 = arith.addi %add3A_108, %add3A_118 : i32
        %add3A_120 = vector.broadcast %add3A_119 : i32 to vector<16xi32>
        %add3A_121 = arith.addi %mul3A_5, %add3A_120 : vector<16xi32>
        %gather3A_122 = tpu.vector_load_idx %arg5[%add3A_121] : memref<8704xf32, #tpu.memory_space<vmem>>[vector<16xi32>], vector<16xf32>,
        %add3A_123 = arith.constant 1 : i32
        %add3A_124 = arith.addi %add3A_119, %add3A_123 : i32
        %add3A_125 = vector.broadcast %add3A_124 : i32 to vector<16xi32>
        %add3A_126 = arith.addi %mul3A_5, %add3A_125 : vector<16xi32>
        %gather3A_127 = tpu.vector_load_idx %arg5[%add3A_126] : memref<8704xf32, #tpu.memory_space<vmem>>[vector<16xi32>], vector<16xf32>,
        %add3A_128 = arith.constant 2048 : i32
        %add3A_129 = arith.addi %add3A_108, %add3A_128 : i32
        %add3A_130 = vector.broadcast %add3A_129 : i32 to vector<16xi32>
        %add3A_131 = arith.addi %mul3A_5, %add3A_130 : vector<16xi32>
        %gather3A_132 = tpu.vector_load_idx %arg5[%add3A_131] : memref<8704xf32, #tpu.memory_space<vmem>>[vector<16xi32>], vector<16xf32>,
        %add3A_133 = arith.constant 1 : i32
        %add3A_134 = arith.addi %add3A_129, %add3A_133 : i32
        %add3A_135 = vector.broadcast %add3A_134 : i32 to vector<16xi32>
        %add3A_136 = arith.addi %mul3A_5, %add3A_135 : vector<16xi32>
        %gather3A_137 = tpu.vector_load_idx %arg5[%add3A_136] : memref<8704xf32, #tpu.memory_space<vmem>>[vector<16xi32>], vector<16xf32>,
        %add3A_138 = arith.constant 3072 : i32
        %add3A_139 = arith.addi %add3A_108, %add3A_138 : i32
        %add3A_140 = vector.broadcast %add3A_139 : i32 to vector<16xi32>
        %add3A_141 = arith.addi %mul3A_5, %add3A_140 : vector<16xi32>
        %gather3A_142 = tpu.vector_load_idx %arg5[%add3A_141] : memref<8704xf32, #tpu.memory_space<vmem>>[vector<16xi32>], vector<16xf32>,
        %add3A_143 = arith.constant 1 : i32
        %add3A_144 = arith.addi %add3A_139, %add3A_143 : i32
        %add3A_145 = vector.broadcast %add3A_144 : i32 to vector<16xi32>
        %add3A_146 = arith.addi %mul3A_5, %add3A_145 : vector<16xi32>
        %gather3A_147 = tpu.vector_load_idx %arg5[%add3A_146] : memref<8704xf32, #tpu.memory_space<vmem>>[vector<16xi32>], vector<16xf32>,
        %add3A_148 = arith.constant 4096 : i32
        %add3A_149 = arith.addi %add3A_108, %add3A_148 : i32
        %add3A_150 = vector.broadcast %add3A_149 : i32 to vector<16xi32>
        %add3A_151 = arith.addi %mul3A_5, %add3A_150 : vector<16xi32>
        %gather3A_152 = tpu.vector_load_idx %arg5[%add3A_151] : memref<8704xf32, #tpu.memory_space<vmem>>[vector<16xi32>], vector<16xf32>,
        %add3A_153 = arith.constant 1 : i32
        %add3A_154 = arith.addi %add3A_149, %add3A_153 : i32
        %add3A_155 = vector.broadcast %add3A_154 : i32 to vector<16xi32>
        %add3A_156 = arith.addi %mul3A_5, %add3A_155 : vector<16xi32>
        %gather3A_157 = tpu.vector_load_idx %arg5[%add3A_156] : memref<8704xf32, #tpu.memory_space<vmem>>[vector<16xi32>], vector<16xf32>,
        %add3A_158 = arith.constant 5120 : i32
        %add3A_159 = arith.addi %add3A_108, %add3A_158 : i32
        %add3A_160 = vector.broadcast %add3A_159 : i32 to vector<16xi32>
        %add3A_161 = arith.addi %mul3A_5, %add3A_160 : vector<16xi32>
        %gather3A_162 = tpu.vector_load_idx %arg5[%add3A_161] : memref<8704xf32, #tpu.memory_space<vmem>>[vector<16xi32>], vector<16xf32>,
        %add3A_163 = arith.constant 1 : i32
        %add3A_164 = arith.addi %add3A_159, %add3A_163 : i32
        %add3A_165 = vector.broadcast %add3A_164 : i32 to vector<16xi32>
        %add3A_166 = arith.addi %mul3A_5, %add3A_165 : vector<16xi32>
        %gather3A_167 = tpu.vector_load_idx %arg5[%add3A_166] : memref<8704xf32, #tpu.memory_space<vmem>>[vector<16xi32>], vector<16xf32>,
        %add3A_168 = arith.constant 6144 : i32
        %add3A_169 = arith.addi %add3A_108, %add3A_168 : i32
        %add3A_170 = vector.broadcast %add3A_169 : i32 to vector<16xi32>
        %add3A_171 = arith.addi %mul3A_5, %add3A_170 : vector<16xi32>
        %gather3A_172 = tpu.vector_load_idx %arg5[%add3A_171] : memref<8704xf32, #tpu.memory_space<vmem>>[vector<16xi32>], vector<16xf32>,
        %add3A_173 = arith.constant 1 : i32
        %add3A_174 = arith.addi %add3A_169, %add3A_173 : i32
        %add3A_175 = vector.broadcast %add3A_174 : i32 to vector<16xi32>
        %add3A_176 = arith.addi %mul3A_5, %add3A_175 : vector<16xi32>
        %gather3A_177 = tpu.vector_load_idx %arg5[%add3A_176] : memref<8704xf32, #tpu.memory_space<vmem>>[vector<16xi32>], vector<16xf32>,
        %add3A_178 = arith.constant 7168 : i32
        %add3A_179 = arith.addi %add3A_108, %add3A_178 : i32
        %add3A_180 = vector.broadcast %add3A_179 : i32 to vector<16xi32>
        %add3A_181 = arith.addi %mul3A_5, %add3A_180 : vector<16xi32>
        %gather3A_182 = tpu.vector_load_idx %arg5[%add3A_181] : memref<8704xf32, #tpu.memory_space<vmem>>[vector<16xi32>], vector<16xf32>,
        %mul3A_183 = arith.constant 2.000000e+00 : f32
        %mul3A_184 = vector.broadcast %mul3A_183 : f32 to vector<16xf32>
        %mul3A_185 = arith.mulf %mul3A_184, %gather3A : vector<16xf32>
        %mul3A_186 = arith.constant 2.000000e+00 : f32
        %mul3A_187 = vector.broadcast %mul3A_186 : f32 to vector<16xf32>
        %mul3A_188 = arith.mulf %mul3A_187, %gather3A_117 : vector<16xf32>
        %mul3A_189 = arith.constant 2.000000e+00 : f32
        %mul3A_190 = vector.broadcast %mul3A_189 : f32 to vector<16xf32>
        %mul3A_191 = arith.mulf %mul3A_190, %gather3A_122 : vector<16xf32>
        %mul3A_192 = arith.constant 2.000000e+00 : f32
        %mul3A_193 = vector.broadcast %mul3A_192 : f32 to vector<16xf32>
        %mul3A_194 = arith.mulf %mul3A_193, %gather3A_127 : vector<16xf32>
        %mul3A_195 = arith.constant 2.000000e+00 : f32
        %mul3A_196 = vector.broadcast %mul3A_195 : f32 to vector<16xf32>
        %mul3A_197 = arith.mulf %mul3A_196, %gather3A_132 : vector<16xf32>
        %mul3A_198 = arith.constant 2.000000e+00 : f32
        %mul3A_199 = vector.broadcast %mul3A_198 : f32 to vector<16xf32>
        %mul3A_200 = arith.mulf %mul3A_199, %gather3A_137 : vector<16xf32>
        %mul3A_201 = arith.constant 2.000000e+00 : f32
        %mul3A_202 = vector.broadcast %mul3A_201 : f32 to vector<16xf32>
        %mul3A_203 = arith.mulf %mul3A_202, %gather3A_142 : vector<16xf32>
        %mul3A_204 = arith.constant 2.000000e+00 : f32
        %mul3A_205 = vector.broadcast %mul3A_204 : f32 to vector<16xf32>
        %mul3A_206 = arith.mulf %mul3A_205, %gather3A_147 : vector<16xf32>
        %mul3A_207 = arith.constant 2.000000e+00 : f32
        %mul3A_208 = vector.broadcast %mul3A_207 : f32 to vector<16xf32>
        %mul3A_209 = arith.mulf %mul3A_208, %gather3A_152 : vector<16xf32>
        %mul3A_210 = arith.constant 2.000000e+00 : f32
        %mul3A_211 = vector.broadcast %mul3A_210 : f32 to vector<16xf32>
        %mul3A_212 = arith.mulf %mul3A_211, %gather3A_157 : vector<16xf32>
        %mul3A_213 = arith.constant 2.000000e+00 : f32
        %mul3A_214 = vector.broadcast %mul3A_213 : f32 to vector<16xf32>
        %mul3A_215 = arith.mulf %mul3A_214, %gather3A_162 : vector<16xf32>
        %mul3A_216 = arith.constant 2.000000e+00 : f32
        %mul3A_217 = vector.broadcast %mul3A_216 : f32 to vector<16xf32>
        %mul3A_218 = arith.mulf %mul3A_217, %gather3A_167 : vector<16xf32>
        %mul3A_219 = arith.constant 2.000000e+00 : f32
        %mul3A_220 = vector.broadcast %mul3A_219 : f32 to vector<16xf32>
        %mul3A_221 = arith.mulf %mul3A_220, %gather3A_172 : vector<16xf32>
        %mul3A_222 = arith.constant 2.000000e+00 : f32
        %mul3A_223 = vector.broadcast %mul3A_222 : f32 to vector<16xf32>
        %mul3A_224 = arith.mulf %mul3A_223, %gather3A_177 : vector<16xf32>
        %add3A_225 = arith.addf %get3A_104, %gather3A_182 : vector<16xf32>
        %sub3A = arith.subf %get3A_104, %gather3A_182 : vector<16xf32>
        %add3A_226 = arith.addf %add3A_225, %mul3A_203 : vector<16xf32>
        %sub3A_227 = arith.subf %add3A_225, %mul3A_203 : vector<16xf32>
        %sub3A_228 = arith.subf %sub3A, %mul3A_206 : vector<16xf32>
        %add3A_229 = arith.addf %sub3A, %mul3A_206 : vector<16xf32>
        %add3A_230 = arith.addf %mul3A_191, %mul3A_215 : vector<16xf32>
        %sub3A_231 = arith.subf %mul3A_191, %mul3A_215 : vector<16xf32>
        %add3A_232 = arith.addf %mul3A_194, %mul3A_218 : vector<16xf32>
        %sub3A_233 = arith.subf %sub3A_231, %add3A_232 : vector<16xf32>
        %mul3A_234 = arith.constant 0.707106769 : f32
        %mul3A_235 = vector.broadcast %mul3A_234 : f32 to vector<16xf32>
        %mul3A_236 = arith.mulf %mul3A_235, %sub3A_233 : vector<16xf32>
        %sub3A_237 = arith.subf %mul3A_218, %mul3A_194 : vector<16xf32>
        %add3A_238 = arith.addf %sub3A_231, %add3A_232 : vector<16xf32>
        %mul3A_239 = arith.constant 0.707106769 : f32
        %mul3A_240 = vector.broadcast %mul3A_239 : f32 to vector<16xf32>
        %mul3A_241 = arith.mulf %mul3A_240, %add3A_238 : vector<16xf32>
        %add3A_242 = arith.addf %add3A_226, %add3A_230 : vector<16xf32>
        %add3A_243 = arith.addf %sub3A_228, %mul3A_236 : vector<16xf32>
        %add3A_244 = arith.addf %sub3A_227, %sub3A_237 : vector<16xf32>
        %sub3A_245 = arith.subf %add3A_229, %mul3A_241 : vector<16xf32>
        %sub3A_246 = arith.subf %add3A_226, %add3A_230 : vector<16xf32>
        %sub3A_247 = arith.subf %sub3A_228, %mul3A_236 : vector<16xf32>
        %sub3A_248 = arith.subf %sub3A_227, %sub3A_237 : vector<16xf32>
        %add3A_249 = arith.addf %add3A_229, %mul3A_241 : vector<16xf32>
        %add3A_250 = arith.addf %mul3A_185, %mul3A_197 : vector<16xf32>
        %add3A_251 = arith.addf %mul3A_209, %mul3A_221 : vector<16xf32>
        %add3A_252 = arith.addf %add3A_250, %add3A_251 : vector<16xf32>
        %sub3A_253 = arith.subf %mul3A_200, %mul3A_188 : vector<16xf32>
        %sub3A_254 = arith.subf %mul3A_224, %mul3A_212 : vector<16xf32>
        %add3A_255 = arith.addf %sub3A_253, %sub3A_254 : vector<16xf32>
        %sub3A_256 = arith.subf %mul3A_185, %mul3A_221 : vector<16xf32>
        %sub3A_257 = arith.subf %mul3A_197, %mul3A_209 : vector<16xf32>
        %add3A_258 = arith.addf %mul3A_188, %mul3A_224 : vector<16xf32>
        %add3A_259 = arith.addf %mul3A_200, %mul3A_212 : vector<16xf32>
        %mul3A_260 = arith.constant 0.923879504 : f32
        %mul3A_261 = vector.broadcast %mul3A_260 : f32 to vector<16xf32>
        %mul3A_262 = arith.mulf %mul3A_261, %sub3A_256 : vector<16xf32>
        %mul3A_263 = arith.constant 0.382683426 : f32
        %mul3A_264 = vector.broadcast %mul3A_263 : f32 to vector<16xf32>
        %mul3A_265 = arith.mulf %mul3A_264, %sub3A_257 : vector<16xf32>
        %add3A_266 = arith.addf %mul3A_262, %mul3A_265 : vector<16xf32>
        %mul3A_267 = arith.constant 0.382683426 : f32
        %mul3A_268 = vector.broadcast %mul3A_267 : f32 to vector<16xf32>
        %mul3A_269 = arith.mulf %mul3A_268, %add3A_258 : vector<16xf32>
        %mul3A_270 = arith.constant 0.923879504 : f32
        %mul3A_271 = vector.broadcast %mul3A_270 : f32 to vector<16xf32>
        %mul3A_272 = arith.mulf %mul3A_271, %add3A_259 : vector<16xf32>
        %add3A_273 = arith.addf %mul3A_269, %mul3A_272 : vector<16xf32>
        %mul3A_274 = arith.constant 0.382683426 : f32
        %mul3A_275 = vector.broadcast %mul3A_274 : f32 to vector<16xf32>
        %mul3A_276 = arith.mulf %mul3A_275, %sub3A_256 : vector<16xf32>
        %mul3A_277 = arith.constant 0.923879504 : f32
        %mul3A_278 = vector.broadcast %mul3A_277 : f32 to vector<16xf32>
        %mul3A_279 = arith.mulf %mul3A_278, %sub3A_257 : vector<16xf32>
        %sub3A_280 = arith.subf %mul3A_276, %mul3A_279 : vector<16xf32>
        %mul3A_281 = arith.constant 0.923879504 : f32
        %mul3A_282 = vector.broadcast %mul3A_281 : f32 to vector<16xf32>
        %mul3A_283 = arith.mulf %mul3A_282, %add3A_258 : vector<16xf32>
        %mul3A_284 = arith.constant 0.382683426 : f32
        %mul3A_285 = vector.broadcast %mul3A_284 : f32 to vector<16xf32>
        %mul3A_286 = arith.mulf %mul3A_285, %add3A_259 : vector<16xf32>
        %sub3A_287 = arith.subf %mul3A_283, %mul3A_286 : vector<16xf32>
        %add3A_288 = arith.addf %mul3A_185, %mul3A_221 : vector<16xf32>
        %add3A_289 = arith.addf %mul3A_197, %mul3A_209 : vector<16xf32>
        %sub3A_290 = arith.subf %add3A_288, %add3A_289 : vector<16xf32>
        %mul3A_291 = arith.constant 0.707106769 : f32
        %mul3A_292 = vector.broadcast %mul3A_291 : f32 to vector<16xf32>
        %mul3A_293 = arith.mulf %mul3A_292, %sub3A_290 : vector<16xf32>
        %add3A_294 = arith.addf %mul3A_188, %mul3A_200 : vector<16xf32>
        %add3A_295 = arith.addf %mul3A_212, %mul3A_224 : vector<16xf32>
        %sub3A_296 = arith.subf %add3A_294, %add3A_295 : vector<16xf32>
        %mul3A_297 = arith.constant 0.707106769 : f32
        %mul3A_298 = vector.broadcast %mul3A_297 : f32 to vector<16xf32>
        %mul3A_299 = arith.mulf %mul3A_298, %sub3A_296 : vector<16xf32>
        %sub3A_300 = arith.subf %add3A_266, %add3A_273 : vector<16xf32>
        %add3A_301 = arith.addf %add3A_266, %add3A_273 : vector<16xf32>
        %sub3A_302 = arith.subf %mul3A_293, %mul3A_299 : vector<16xf32>
        %add3A_303 = arith.addf %mul3A_293, %mul3A_299 : vector<16xf32>
        %sub3A_304 = arith.subf %sub3A_280, %sub3A_287 : vector<16xf32>
        %add3A_305 = arith.addf %sub3A_280, %sub3A_287 : vector<16xf32>
        %add3A_306 = arith.addf %add3A_242, %add3A_252 : vector<16xf32>
        %sub3A_307 = arith.subf %add3A_242, %add3A_252 : vector<16xf32>
        %add3A_308 = arith.addf %add3A_243, %sub3A_300 : vector<16xf32>
        %sub3A_309 = arith.subf %add3A_243, %sub3A_300 : vector<16xf32>
        %add3A_310 = arith.addf %add3A_244, %sub3A_302 : vector<16xf32>
        %sub3A_311 = arith.subf %add3A_244, %sub3A_302 : vector<16xf32>
        %add3A_312 = arith.addf %sub3A_245, %sub3A_304 : vector<16xf32>
        %sub3A_313 = arith.subf %sub3A_245, %sub3A_304 : vector<16xf32>
        %add3A_314 = arith.addf %sub3A_246, %add3A_255 : vector<16xf32>
        %sub3A_315 = arith.subf %sub3A_246, %add3A_255 : vector<16xf32>
        %sub3A_316 = arith.subf %sub3A_247, %add3A_305 : vector<16xf32>
        %add3A_317 = arith.addf %sub3A_247, %add3A_305 : vector<16xf32>
        %sub3A_318 = arith.subf %sub3A_248, %add3A_303 : vector<16xf32>
        %add3A_319 = arith.addf %sub3A_248, %add3A_303 : vector<16xf32>
        %sub3A_320 = arith.subf %add3A_249, %add3A_301 : vector<16xf32>
        %add3A_321 = arith.addf %add3A_249, %add3A_301 : vector<16xf32>
        %max3A = arith.constant 0.000000e+00 : f32
        %max3A_322 = vector.broadcast %max3A : f32 to vector<16xf32>
        %max3A_323 = arith.maximumf %add3A_306, %max3A_322 : vector<16xf32>
        %mul3A_324 = arith.constant 6.250000e-02 : f32
        %mul3A_325 = vector.broadcast %mul3A_324 : f32 to vector<16xf32>
        %mul3A_326 = arith.mulf %max3A_323, %mul3A_325 : vector<16xf32>
        %max3A_327 = arith.constant 0.000000e+00 : f32
        %max3A_328 = vector.broadcast %max3A_327 : f32 to vector<16xf32>
        %max3A_329 = arith.maximumf %add3A_308, %max3A_328 : vector<16xf32>
        %mul3A_330 = arith.constant 6.250000e-02 : f32
        %mul3A_331 = vector.broadcast %mul3A_330 : f32 to vector<16xf32>
        %mul3A_332 = arith.mulf %max3A_329, %mul3A_331 : vector<16xf32>
        %max3A_333 = arith.constant 0.000000e+00 : f32
        %max3A_334 = vector.broadcast %max3A_333 : f32 to vector<16xf32>
        %max3A_335 = arith.maximumf %add3A_310, %max3A_334 : vector<16xf32>
        %mul3A_336 = arith.constant 6.250000e-02 : f32
        %mul3A_337 = vector.broadcast %mul3A_336 : f32 to vector<16xf32>
        %mul3A_338 = arith.mulf %max3A_335, %mul3A_337 : vector<16xf32>
        %max3A_339 = arith.constant 0.000000e+00 : f32
        %max3A_340 = vector.broadcast %max3A_339 : f32 to vector<16xf32>
        %max3A_341 = arith.maximumf %add3A_312, %max3A_340 : vector<16xf32>
        %mul3A_342 = arith.constant 6.250000e-02 : f32
        %mul3A_343 = vector.broadcast %mul3A_342 : f32 to vector<16xf32>
        %mul3A_344 = arith.mulf %max3A_341, %mul3A_343 : vector<16xf32>
        %max3A_345 = arith.constant 0.000000e+00 : f32
        %max3A_346 = vector.broadcast %max3A_345 : f32 to vector<16xf32>
        %max3A_347 = arith.maximumf %add3A_314, %max3A_346 : vector<16xf32>
        %mul3A_348 = arith.constant 6.250000e-02 : f32
        %mul3A_349 = vector.broadcast %mul3A_348 : f32 to vector<16xf32>
        %mul3A_350 = arith.mulf %max3A_347, %mul3A_349 : vector<16xf32>
        %max3A_351 = arith.constant 0.000000e+00 : f32
        %max3A_352 = vector.broadcast %max3A_351 : f32 to vector<16xf32>
        %max3A_353 = arith.maximumf %sub3A_316, %max3A_352 : vector<16xf32>
        %mul3A_354 = arith.constant 6.250000e-02 : f32
        %mul3A_355 = vector.broadcast %mul3A_354 : f32 to vector<16xf32>
        %mul3A_356 = arith.mulf %max3A_353, %mul3A_355 : vector<16xf32>
        %max3A_357 = arith.constant 0.000000e+00 : f32
        %max3A_358 = vector.broadcast %max3A_357 : f32 to vector<16xf32>
        %max3A_359 = arith.maximumf %sub3A_318, %max3A_358 : vector<16xf32>
        %mul3A_360 = arith.constant 6.250000e-02 : f32
        %mul3A_361 = vector.broadcast %mul3A_360 : f32 to vector<16xf32>
        %mul3A_362 = arith.mulf %max3A_359, %mul3A_361 : vector<16xf32>
        %max3A_363 = arith.constant 0.000000e+00 : f32
        %max3A_364 = vector.broadcast %max3A_363 : f32 to vector<16xf32>
        %max3A_365 = arith.maximumf %sub3A_320, %max3A_364 : vector<16xf32>
        %mul3A_366 = arith.constant 6.250000e-02 : f32
        %mul3A_367 = vector.broadcast %mul3A_366 : f32 to vector<16xf32>
        %mul3A_368 = arith.mulf %max3A_365, %mul3A_367 : vector<16xf32>
        %max3A_369 = arith.constant 0.000000e+00 : f32
        %max3A_370 = vector.broadcast %max3A_369 : f32 to vector<16xf32>
        %max3A_371 = arith.maximumf %sub3A_307, %max3A_370 : vector<16xf32>
        %mul3A_372 = arith.constant 6.250000e-02 : f32
        %mul3A_373 = vector.broadcast %mul3A_372 : f32 to vector<16xf32>
        %mul3A_374 = arith.mulf %max3A_371, %mul3A_373 : vector<16xf32>
        %max3A_375 = arith.constant 0.000000e+00 : f32
        %max3A_376 = vector.broadcast %max3A_375 : f32 to vector<16xf32>
        %max3A_377 = arith.maximumf %sub3A_309, %max3A_376 : vector<16xf32>
        %mul3A_378 = arith.constant 6.250000e-02 : f32
        %mul3A_379 = vector.broadcast %mul3A_378 : f32 to vector<16xf32>
        %mul3A_380 = arith.mulf %max3A_377, %mul3A_379 : vector<16xf32>
        %max3A_381 = arith.constant 0.000000e+00 : f32
        %max3A_382 = vector.broadcast %max3A_381 : f32 to vector<16xf32>
        %max3A_383 = arith.maximumf %sub3A_311, %max3A_382 : vector<16xf32>
        %mul3A_384 = arith.constant 6.250000e-02 : f32
        %mul3A_385 = vector.broadcast %mul3A_384 : f32 to vector<16xf32>
        %mul3A_386 = arith.mulf %max3A_383, %mul3A_385 : vector<16xf32>
        %max3A_387 = arith.constant 0.000000e+00 : f32
        %max3A_388 = vector.broadcast %max3A_387 : f32 to vector<16xf32>
        %max3A_389 = arith.maximumf %sub3A_313, %max3A_388 : vector<16xf32>
        %mul3A_390 = arith.constant 6.250000e-02 : f32
        %mul3A_391 = vector.broadcast %mul3A_390 : f32 to vector<16xf32>
        %mul3A_392 = arith.mulf %max3A_389, %mul3A_391 : vector<16xf32>
        %max3A_393 = arith.constant 0.000000e+00 : f32
        %max3A_394 = vector.broadcast %max3A_393 : f32 to vector<16xf32>
        %max3A_395 = arith.maximumf %sub3A_315, %max3A_394 : vector<16xf32>
        %mul3A_396 = arith.constant 6.250000e-02 : f32
        %mul3A_397 = vector.broadcast %mul3A_396 : f32 to vector<16xf32>
        %mul3A_398 = arith.mulf %max3A_395, %mul3A_397 : vector<16xf32>
        %max3A_399 = arith.constant 0.000000e+00 : f32
        %max3A_400 = vector.broadcast %max3A_399 : f32 to vector<16xf32>
        %max3A_401 = arith.maximumf %add3A_317, %max3A_400 : vector<16xf32>
        %mul3A_402 = arith.constant 6.250000e-02 : f32
        %mul3A_403 = vector.broadcast %mul3A_402 : f32 to vector<16xf32>
        %mul3A_404 = arith.mulf %max3A_401, %mul3A_403 : vector<16xf32>
        %max3A_405 = arith.constant 0.000000e+00 : f32
        %max3A_406 = vector.broadcast %max3A_405 : f32 to vector<16xf32>
        %max3A_407 = arith.maximumf %add3A_319, %max3A_406 : vector<16xf32>
        %mul3A_408 = arith.constant 6.250000e-02 : f32
        %mul3A_409 = vector.broadcast %mul3A_408 : f32 to vector<16xf32>
        %mul3A_410 = arith.mulf %max3A_407, %mul3A_409 : vector<16xf32>
        %max3A_411 = arith.constant 0.000000e+00 : f32
        %max3A_412 = vector.broadcast %max3A_411 : f32 to vector<16xf32>
        %max3A_413 = arith.maximumf %add3A_321, %max3A_412 : vector<16xf32>
        %mul3A_414 = arith.constant 6.250000e-02 : f32
        %mul3A_415 = vector.broadcast %mul3A_414 : f32 to vector<16xf32>
        %mul3A_416 = arith.mulf %max3A_413, %mul3A_415 : vector<16xf32>
        %add3A_417 = arith.addf %mul3A_332, %mul3A_416 : vector<16xf32>
        %add3A_418 = arith.addf %mul3A_338, %mul3A_410 : vector<16xf32>
        %add3A_419 = arith.addf %mul3A_344, %mul3A_404 : vector<16xf32>
        %add3A_420 = arith.addf %mul3A_350, %mul3A_398 : vector<16xf32>
        %add3A_421 = arith.addf %mul3A_356, %mul3A_392 : vector<16xf32>
        %add3A_422 = arith.addf %mul3A_362, %mul3A_386 : vector<16xf32>
        %add3A_423 = arith.addf %mul3A_368, %mul3A_380 : vector<16xf32>
        %sub3A_424 = arith.subf %mul3A_332, %mul3A_416 : vector<16xf32>
        %sub3A_425 = arith.subf %mul3A_338, %mul3A_410 : vector<16xf32>
        %sub3A_426 = arith.subf %mul3A_344, %mul3A_404 : vector<16xf32>
        %sub3A_427 = arith.subf %mul3A_350, %mul3A_398 : vector<16xf32>
        %sub3A_428 = arith.subf %mul3A_356, %mul3A_392 : vector<16xf32>
        %sub3A_429 = arith.subf %mul3A_362, %mul3A_386 : vector<16xf32>
        %sub3A_430 = arith.subf %mul3A_368, %mul3A_380 : vector<16xf32>
        %add3A_431 = arith.addf %mul3A_326, %mul3A_374 : vector<16xf32>
        %sub3A_432 = arith.subf %mul3A_326, %mul3A_374 : vector<16xf32>
        %add3A_433 = arith.addf %add3A_418, %add3A_422 : vector<16xf32>
        %add3A_434 = arith.addf %add3A_431, %add3A_420 : vector<16xf32>
        %add3A_435 = arith.addf %add3A_434, %add3A_433 : vector<16xf32>
        %sub3A_436 = arith.subf %add3A_434, %add3A_433 : vector<16xf32>
        %sub3A_437 = arith.subf %add3A_431, %add3A_420 : vector<16xf32>
        %sub3A_438 = arith.subf %add3A_418, %add3A_422 : vector<16xf32>
        %mul3A_439 = arith.constant 0.707106769 : f32
        %mul3A_440 = vector.broadcast %mul3A_439 : f32 to vector<16xf32>
        %mul3A_441 = arith.mulf %mul3A_440, %sub3A_438 : vector<16xf32>
        %add3A_442 = arith.addf %sub3A_432, %mul3A_441 : vector<16xf32>
        %sub3A_443 = arith.subf %sub3A_432, %mul3A_441 : vector<16xf32>
        %add3A_444 = arith.addf %add3A_417, %add3A_419 : vector<16xf32>
        %add3A_445 = arith.addf %add3A_421, %add3A_423 : vector<16xf32>
        %add3A_446 = arith.addf %add3A_444, %add3A_445 : vector<16xf32>
        %sub3A_447 = arith.subf %add3A_417, %add3A_423 : vector<16xf32>
        %sub3A_448 = arith.subf %add3A_419, %add3A_421 : vector<16xf32>
        %mul3A_449 = arith.constant 0.923879504 : f32
        %mul3A_450 = vector.broadcast %mul3A_449 : f32 to vector<16xf32>
        %mul3A_451 = arith.mulf %mul3A_450, %sub3A_447 : vector<16xf32>
        %mul3A_452 = arith.constant 0.382683426 : f32
        %mul3A_453 = vector.broadcast %mul3A_452 : f32 to vector<16xf32>
        %mul3A_454 = arith.mulf %mul3A_453, %sub3A_448 : vector<16xf32>
        %add3A_455 = arith.addf %mul3A_451, %mul3A_454 : vector<16xf32>
        %mul3A_456 = arith.constant 0.382683426 : f32
        %mul3A_457 = vector.broadcast %mul3A_456 : f32 to vector<16xf32>
        %mul3A_458 = arith.mulf %mul3A_457, %sub3A_447 : vector<16xf32>
        %mul3A_459 = arith.constant 0.923879504 : f32
        %mul3A_460 = vector.broadcast %mul3A_459 : f32 to vector<16xf32>
        %mul3A_461 = arith.mulf %mul3A_460, %sub3A_448 : vector<16xf32>
        %sub3A_462 = arith.subf %mul3A_458, %mul3A_461 : vector<16xf32>
        %add3A_463 = arith.addf %add3A_417, %add3A_423 : vector<16xf32>
        %add3A_464 = arith.addf %add3A_419, %add3A_421 : vector<16xf32>
        %sub3A_465 = arith.subf %add3A_463, %add3A_464 : vector<16xf32>
        %mul3A_466 = arith.constant 0.707106769 : f32
        %mul3A_467 = vector.broadcast %mul3A_466 : f32 to vector<16xf32>
        %mul3A_468 = arith.mulf %mul3A_467, %sub3A_465 : vector<16xf32>
        %add3A_469 = arith.addf %add3A_435, %add3A_446 : vector<16xf32>
        %add3A_470 = arith.addf %add3A_442, %add3A_455 : vector<16xf32>
        %add3A_471 = arith.addf %sub3A_437, %mul3A_468 : vector<16xf32>
        %add3A_472 = arith.addf %sub3A_443, %sub3A_462 : vector<16xf32>
        %sub3A_473 = arith.subf %sub3A_443, %sub3A_462 : vector<16xf32>
        %sub3A_474 = arith.subf %sub3A_437, %mul3A_468 : vector<16xf32>
        %sub3A_475 = arith.subf %add3A_442, %add3A_455 : vector<16xf32>
        %sub3A_476 = arith.subf %add3A_435, %add3A_446 : vector<16xf32>
        %add3A_477 = arith.addf %sub3A_425, %sub3A_429 : vector<16xf32>
        %mul3A_478 = arith.constant -0.707106769 : f32
        %mul3A_479 = vector.broadcast %mul3A_478 : f32 to vector<16xf32>
        %mul3A_480 = arith.mulf %mul3A_479, %add3A_477 : vector<16xf32>
        %sub3A_481 = arith.subf %mul3A_480, %sub3A_427 : vector<16xf32>
        %add3A_482 = arith.addf %mul3A_480, %sub3A_427 : vector<16xf32>
        %sub3A_483 = arith.subf %sub3A_429, %sub3A_425 : vector<16xf32>
        %add3A_484 = arith.addf %sub3A_424, %sub3A_430 : vector<16xf32>
        %add3A_485 = arith.addf %sub3A_426, %sub3A_428 : vector<16xf32>
        %mul3A_486 = arith.constant -0.382683426 : f32
        %mul3A_487 = vector.broadcast %mul3A_486 : f32 to vector<16xf32>
        %mul3A_488 = arith.mulf %mul3A_487, %add3A_484 : vector<16xf32>
        %mul3A_489 = arith.constant -0.923879504 : f32
        %mul3A_490 = vector.broadcast %mul3A_489 : f32 to vector<16xf32>
        %mul3A_491 = arith.mulf %mul3A_490, %add3A_485 : vector<16xf32>
        %add3A_492 = arith.addf %mul3A_488, %mul3A_491 : vector<16xf32>
        %mul3A_493 = arith.constant -0.923879504 : f32
        %mul3A_494 = vector.broadcast %mul3A_493 : f32 to vector<16xf32>
        %mul3A_495 = arith.mulf %mul3A_494, %add3A_484 : vector<16xf32>
        %mul3A_496 = arith.constant 0.382683426 : f32
        %mul3A_497 = vector.broadcast %mul3A_496 : f32 to vector<16xf32>
        %mul3A_498 = arith.mulf %mul3A_497, %add3A_485 : vector<16xf32>
        %add3A_499 = arith.addf %mul3A_495, %mul3A_498 : vector<16xf32>
        %add3A_500 = arith.addf %sub3A_424, %sub3A_426 : vector<16xf32>
        %add3A_501 = arith.addf %sub3A_428, %sub3A_430 : vector<16xf32>
        %sub3A_502 = arith.subf %add3A_500, %add3A_501 : vector<16xf32>
        %mul3A_503 = arith.constant -0.707106769 : f32
        %mul3A_504 = vector.broadcast %mul3A_503 : f32 to vector<16xf32>
        %mul3A_505 = arith.mulf %mul3A_504, %sub3A_502 : vector<16xf32>
        %sub3A_506 = arith.subf %sub3A_426, %sub3A_424 : vector<16xf32>
        %sub3A_507 = arith.subf %sub3A_430, %sub3A_428 : vector<16xf32>
        %add3A_508 = arith.addf %sub3A_506, %sub3A_507 : vector<16xf32>
        %add3A_509 = arith.addf %sub3A_481, %add3A_492 : vector<16xf32>
        %add3A_510 = arith.addf %sub3A_483, %mul3A_505 : vector<16xf32>
        %add3A_511 = arith.addf %add3A_482, %add3A_499 : vector<16xf32>
        %sub3A_512 = arith.subf %add3A_499, %add3A_482 : vector<16xf32>
        %sub3A_513 = arith.subf %mul3A_505, %sub3A_483 : vector<16xf32>
        %sub3A_514 = arith.subf %add3A_492, %sub3A_481 : vector<16xf32>
        %swap3A = arith.index_cast %mul3A_103 : i32 to index
        %swap3A_515 = tpu.vector_load %arg7[%swap3A] {strides = array<i32>} : memref<8704xf32, #tpu.memory_space<vmem>>, vector<16xf32>,
        tpu.vector_store %arg7[%swap3A], %add3A_469 {strides = array<i32>} : memref<8704xf32, #tpu.memory_space<vmem>>, vector<16xf32>,
        %mul3A_516 = arith.constant 0.000000e+00 : f32
        %mul3A_517 = vector.broadcast %mul3A_516 : f32 to vector<16xf32>
        %mul3A_518 = arith.mulf %mul3A_326, %mul3A_517 : vector<16xf32>
        %add3A_519 = arith.constant 0 : i32
        %add3A_520 = arith.addi %add3A_108, %add3A_519 : i32
        %add3A_521 = vector.broadcast %add3A_520 : i32 to vector<16xi32>
        %add3A_522 = arith.addi %mul3A_5, %add3A_521 : vector<16xi32>
        tpu.vector_store_idx %arg7[%add3A_522], %add3A_470 : memref<8704xf32, #tpu.memory_space<vmem>>[vector<16xi32>], vector<16xf32>,
        %add3A_523 = arith.constant 1 : i32
        %add3A_524 = arith.addi %add3A_520, %add3A_523 : i32
        %add3A_525 = vector.broadcast %add3A_524 : i32 to vector<16xi32>
        %add3A_526 = arith.addi %mul3A_5, %add3A_525 : vector<16xi32>
        tpu.vector_store_idx %arg7[%add3A_526], %add3A_509 : memref<8704xf32, #tpu.memory_space<vmem>>[vector<16xi32>], vector<16xf32>,
        %add3A_527 = arith.constant 1024 : i32
        %add3A_528 = arith.addi %add3A_108, %add3A_527 : i32
        %add3A_529 = vector.broadcast %add3A_528 : i32 to vector<16xi32>
        %add3A_530 = arith.addi %mul3A_5, %add3A_529 : vector<16xi32>
        tpu.vector_store_idx %arg7[%add3A_530], %add3A_471 : memref<8704xf32, #tpu.memory_space<vmem>>[vector<16xi32>], vector<16xf32>,
        %add3A_531 = arith.constant 1 : i32
        %add3A_532 = arith.addi %add3A_528, %add3A_531 : i32
        %add3A_533 = vector.broadcast %add3A_532 : i32 to vector<16xi32>
        %add3A_534 = arith.addi %mul3A_5, %add3A_533 : vector<16xi32>
        tpu.vector_store_idx %arg7[%add3A_534], %add3A_510 : memref<8704xf32, #tpu.memory_space<vmem>>[vector<16xi32>], vector<16xf32>,
        %add3A_535 = arith.constant 2048 : i32
        %add3A_536 = arith.addi %add3A_108, %add3A_535 : i32
        %add3A_537 = vector.broadcast %add3A_536 : i32 to vector<16xi32>
        %add3A_538 = arith.addi %mul3A_5, %add3A_537 : vector<16xi32>
        tpu.vector_store_idx %arg7[%add3A_538], %add3A_472 : memref<8704xf32, #tpu.memory_space<vmem>>[vector<16xi32>], vector<16xf32>,
        %add3A_539 = arith.constant 1 : i32
        %add3A_540 = arith.addi %add3A_536, %add3A_539 : i32
        %add3A_541 = vector.broadcast %add3A_540 : i32 to vector<16xi32>
        %add3A_542 = arith.addi %mul3A_5, %add3A_541 : vector<16xi32>
        tpu.vector_store_idx %arg7[%add3A_542], %add3A_511 : memref<8704xf32, #tpu.memory_space<vmem>>[vector<16xi32>], vector<16xf32>,
        %add3A_543 = arith.constant 3072 : i32
        %add3A_544 = arith.addi %add3A_108, %add3A_543 : i32
        %add3A_545 = vector.broadcast %add3A_544 : i32 to vector<16xi32>
        %add3A_546 = arith.addi %mul3A_5, %add3A_545 : vector<16xi32>
        tpu.vector_store_idx %arg7[%add3A_546], %sub3A_436 : memref<8704xf32, #tpu.memory_space<vmem>>[vector<16xi32>], vector<16xf32>,
        %add3A_547 = arith.constant 1 : i32
        %add3A_548 = arith.addi %add3A_544, %add3A_547 : i32
        %add3A_549 = vector.broadcast %add3A_548 : i32 to vector<16xi32>
        %add3A_550 = arith.addi %mul3A_5, %add3A_549 : vector<16xi32>
        tpu.vector_store_idx %arg7[%add3A_550], %add3A_508 : memref<8704xf32, #tpu.memory_space<vmem>>[vector<16xi32>], vector<16xf32>,
        %add3A_551 = arith.constant 4096 : i32
        %add3A_552 = arith.addi %add3A_108, %add3A_551 : i32
        %add3A_553 = vector.broadcast %add3A_552 : i32 to vector<16xi32>
        %add3A_554 = arith.addi %mul3A_5, %add3A_553 : vector<16xi32>
        tpu.vector_store_idx %arg7[%add3A_554], %sub3A_473 : memref<8704xf32, #tpu.memory_space<vmem>>[vector<16xi32>], vector<16xf32>,
        %add3A_555 = arith.constant 1 : i32
        %add3A_556 = arith.addi %add3A_552, %add3A_555 : i32
        %add3A_557 = vector.broadcast %add3A_556 : i32 to vector<16xi32>
        %add3A_558 = arith.addi %mul3A_5, %add3A_557 : vector<16xi32>
        tpu.vector_store_idx %arg7[%add3A_558], %sub3A_512 : memref<8704xf32, #tpu.memory_space<vmem>>[vector<16xi32>], vector<16xf32>,
        %add3A_559 = arith.constant 5120 : i32
        %add3A_560 = arith.addi %add3A_108, %add3A_559 : i32
        %add3A_561 = vector.broadcast %add3A_560 : i32 to vector<16xi32>
        %add3A_562 = arith.addi %mul3A_5, %add3A_561 : vector<16xi32>
        tpu.vector_store_idx %arg7[%add3A_562], %sub3A_474 : memref<8704xf32, #tpu.memory_space<vmem>>[vector<16xi32>], vector<16xf32>,
        %add3A_563 = arith.constant 1 : i32
        %add3A_564 = arith.addi %add3A_560, %add3A_563 : i32
        %add3A_565 = vector.broadcast %add3A_564 : i32 to vector<16xi32>
        %add3A_566 = arith.addi %mul3A_5, %add3A_565 : vector<16xi32>
        tpu.vector_store_idx %arg7[%add3A_566], %sub3A_513 : memref<8704xf32, #tpu.memory_space<vmem>>[vector<16xi32>], vector<16xf32>,
        %add3A_567 = arith.constant 6144 : i32
        %add3A_568 = arith.addi %add3A_108, %add3A_567 : i32
        %add3A_569 = vector.broadcast %add3A_568 : i32 to vector<16xi32>
        %add3A_570 = arith.addi %mul3A_5, %add3A_569 : vector<16xi32>
        tpu.vector_store_idx %arg7[%add3A_570], %sub3A_475 : memref<8704xf32, #tpu.memory_space<vmem>>[vector<16xi32>], vector<16xf32>,
        %add3A_571 = arith.constant 1 : i32
        %add3A_572 = arith.addi %add3A_568, %add3A_571 : i32
        %add3A_573 = vector.broadcast %add3A_572 : i32 to vector<16xi32>
        %add3A_574 = arith.addi %mul3A_5, %add3A_573 : vector<16xi32>
        tpu.vector_store_idx %arg7[%add3A_574], %sub3A_514 : memref<8704xf32, #tpu.memory_space<vmem>>[vector<16xi32>], vector<16xf32>,
        %add3A_575 = arith.constant 7168 : i32
        %add3A_576 = arith.addi %add3A_108, %add3A_575 : i32
        %add3A_577 = vector.broadcast %add3A_576 : i32 to vector<16xi32>
        %add3A_578 = arith.addi %mul3A_5, %add3A_577 : vector<16xi32>
        tpu.vector_store_idx %arg7[%add3A_578], %sub3A_476 : memref<8704xf32, #tpu.memory_space<vmem>>[vector<16xi32>], vector<16xf32>,
        %add3A_579 = arith.constant 1 : i32
        %add3A_580 = arith.addi %add3A_576, %add3A_579 : i32
        %add3A_581 = vector.broadcast %add3A_580 : i32 to vector<16xi32>
        %add3A_582 = arith.addi %mul3A_5, %add3A_581 : vector<16xi32>
        tpu.vector_store_idx %arg7[%add3A_582], %mul3A_518 : memref<8704xf32, #tpu.memory_space<vmem>>[vector<16xi32>], vector<16xf32>,
      }
      %scan3A_89 = arith.constant 32 : i32
      %dma_start3A_90 = arith.constant 0 : i32
      %dma_start3A_91 = tpu.memref_slice %arg3[%add3A_72, %dma_start3A_90] : memref<4096x8704xf32, #tpu.memory_space<hbm>> -> memref<1x8704xf32, #tpu.memory_space<hbm>>
      %dma_start3A_92 = tpu.memref_squeeze %dma_start3A_91 : memref<1x8704xf32, #tpu.memory_space<hbm>> -> memref<8704xf32, #tpu.memory_space<hbm>>
      %dma_start3A_93 = arith.constant 0 : i32
      %dma_start3A_94 = tpu.memref_slice %arg3[%add3A_72, %dma_start3A_93] : memref<4096x8704xf32, #tpu.memory_space<hbm>> -> memref<1x8704xf32, #tpu.memory_space<hbm>>
      %dma_start3A_95 = tpu.memref_squeeze %dma_start3A_94 : memref<1x8704xf32, #tpu.memory_space<hbm>> -> memref<8704xf32, #tpu.memory_space<hbm>>
      tpu.enqueue_dma source(%arg7 : memref<8704xf32, #tpu.memory_space<vmem>>) target(%dma_start3A_95 : memref<8704xf32, #tpu.memory_space<hbm>>) target_semaphore(%arg11 : memref<!tpu.dma_semaphore, #tpu.memory_space<semaphore_mem>>)
      %ne3A_96 = arith.constant 63 : i32
      %ne3A_97 = arith.cmpi ne, %scan3A_37, %ne3A_96 : i32
      %convert_element_type3A_98 = arith.extui %ne3A_97 : i1 to i32
      %cond3A_99 = arith.constant 0 : i32
      %cond3A_100 = arith.cmpi ne, %convert_element_type3A_98, %cond3A_99 : i32
      scf.if %cond3A_100 {
        %add3A_101 = arith.constant 2 : i32
        %add3A_102 = arith.addi %add3A_72, %add3A_101 : i32
        %dma_start3A_103 = arith.constant 0 : i32
        %dma_start3A_104 = tpu.memref_slice %arg2[%add3A_102, %dma_start3A_103] : memref<4096x8704xf32, #tpu.memory_space<hbm>> -> memref<1x8704xf32, #tpu.memory_space<hbm>>
        %dma_start3A_105 = tpu.memref_squeeze %dma_start3A_104 : memref<1x8704xf32, #tpu.memory_space<hbm>> -> memref<8704xf32, #tpu.memory_space<hbm>>
        %dma_start3A_106 = arith.constant 0 : i32
        %dma_start3A_107 = tpu.memref_slice %arg2[%add3A_102, %dma_start3A_106] : memref<4096x8704xf32, #tpu.memory_space<hbm>> -> memref<1x8704xf32, #tpu.memory_space<hbm>>
        %dma_start3A_108 = tpu.memref_squeeze %dma_start3A_107 : memref<1x8704xf32, #tpu.memory_space<hbm>> -> memref<8704xf32, #tpu.memory_space<hbm>>
        tpu.enqueue_dma source(%dma_start3A_108 : memref<8704xf32, #tpu.memory_space<hbm>>) target(%arg5 : memref<8704xf32, #tpu.memory_space<vmem>>) target_semaphore(%arg9 : memref<!tpu.dma_semaphore, #tpu.memory_space<semaphore_mem>>)
      } else {
      }
    }
    %scan3A_23 = arith.constant 64 : i32
    %dma_wait3A = arith.constant 0 : i32
    %dma_wait3A_24 = tpu.memref_slice %arg3[%mul3A_2, %dma_wait3A] : memref<4096x8704xf32, #tpu.memory_space<hbm>> -> memref<1x8704xf32, #tpu.memory_space<hbm>>
    %dma_wait3A_25 = tpu.memref_squeeze %dma_wait3A_24 : memref<1x8704xf32, #tpu.memory_space<hbm>> -> memref<8704xf32, #tpu.memory_space<hbm>>
    %dma_wait3A_26 = arith.constant 0 : i32
    %dma_wait3A_27 = tpu.memref_slice %arg3[%mul3A_2, %dma_wait3A_26] : memref<4096x8704xf32, #tpu.memory_space<hbm>> -> memref<1x8704xf32, #tpu.memory_space<hbm>>
    %dma_wait3A_28 = tpu.memref_squeeze %dma_wait3A_27 : memref<1x8704xf32, #tpu.memory_space<hbm>> -> memref<8704xf32, #tpu.memory_space<hbm>>
    tpu.wait_dma2 semaphore(%arg10 : memref<!tpu.dma_semaphore, #tpu.memory_space<semaphore_mem>>) src(%arg6 : memref<8704xf32, #tpu.memory_space<vmem>>) dst(%dma_wait3A_28 : memref<8704xf32, #tpu.memory_space<hbm>>)
    %add3A_29 = arith.constant 1 : i32
    %add3A_30 = arith.addi %mul3A_2, %add3A_29 : i32
    %dma_wait3A_31 = arith.constant 0 : i32
    %dma_wait3A_32 = tpu.memref_slice %arg3[%add3A_30, %dma_wait3A_31] : memref<4096x8704xf32, #tpu.memory_space<hbm>> -> memref<1x8704xf32, #tpu.memory_space<hbm>>
    %dma_wait3A_33 = tpu.memref_squeeze %dma_wait3A_32 : memref<1x8704xf32, #tpu.memory_space<hbm>> -> memref<8704xf32, #tpu.memory_space<hbm>>
    %dma_wait3A_34 = arith.constant 0 : i32
    %dma_wait3A_35 = tpu.memref_slice %arg3[%add3A_30, %dma_wait3A_34] : memref<4096x8704xf32, #tpu.memory_space<hbm>> -> memref<1x8704xf32, #tpu.memory_space<hbm>>
    %dma_wait3A_36 = tpu.memref_squeeze %dma_wait3A_35 : memref<1x8704xf32, #tpu.memory_space<hbm>> -> memref<8704xf32, #tpu.memory_space<hbm>>
    tpu.wait_dma2 semaphore(%arg11 : memref<!tpu.dma_semaphore, #tpu.memory_space<semaphore_mem>>) src(%arg7 : memref<8704xf32, #tpu.memory_space<vmem>>) dst(%dma_wait3A_36 : memref<8704xf32, #tpu.memory_space<hbm>>)
    return
  }
}

</mosaic_0001>

<sc_bundles>
// kernel: kernel.3.cloned.1.call-start
scs
__scs_entry_jumppad:
0x0: {  	(pc) =	sbr.rel $0x88, $3  }
0x1: {  	(tag) =	ssettag $0x0;
	lr =	simm.s32 $0x1  }
0x2: {  	[smem:$0x3FA0] =	sst lr;
	_ =	strace $0xD0000000  }
0x3: {  	_ = 	snop  }
0x4: {  	_ = 	snop  }
0x5: {  	_ = 	snop  }
0x6: {  	_ = 	snop  }
0x7: {  	_ = 	snop  }
__scs_overlays_trampoline_lowered:
0x8: {  	[smem:$0x3FAF] =	sst s0  }
0x9: {  	[smem:$0x3FB0] =	sst s1  }
0xa: {  	[smem:$0x3FB1] =	sst s2  }
0xb: {  	[smem:$0x3FB2] =	sst s3  }
0xc: {  	[smem:$0x3FB3] =	sst s4  }
0xd: {  	[smem:$0x3FB4] =	sst s5  }
0xe: {  	[smem:$0x3FB5] =	sst s6  }
0xf: {  	[smem:$0x3FB6] =	sst s7  }
0x10: {  	[smem:$0x3FB7] =	sst s8  }
0x11: {  	[smem:$0x3FB8] =	sst s9;
	s0 =	simm.s32 @!p0 $0x0  }
0x12: {  	s1 =	sld [smem:$0x3F9E];
	s0 =	simm.s32 @p0 $0x1  }
0x13: {  	[smem:$0x3FB9] =	sst s0;
	s0 =	simm.s32 @!p1 $0x0  }
0x14: {  	s2 =	sld [smem:$0x3F9D];
	s0 =	simm.s32 @p1 $0x1  }
0x15: {  	[smem:$0x3FBA] =	sst s0;
	s0 =	simm.s32 @!p2 $0x0  }
0x16: {  	s3 =	sld [smem:$0x3FDB];
	s0 =	simm.s32 @p2 $0x1  }
0x17: {  	s4 =	simm.s32 $0x1BF5;
	[smem:$0x3FBC] =	sst s0  }
0x18: {  	s0 =	sld [smem:$0x3F9F];
	_ =	swait.ge [sflag:s4], $0x0  }
0x19: {  	s7 =	sld [smem:$0x3FA0]  }
0x1a: {  	s8 =	sadd.s32 $0xFFFFE003, lr  }
0x1b: {  	s9 =	sadd.s32 $0xFFFFFEF7, lr;
	s5 =	simm.s32 $0xFFFFFFFF;
	p2 =	slt.u32 s8, $0xFFFFF086  }
0x1c: {  	p1 =	slt.u32 s9, $0xF7A;
	s5 =	simm.s32 @!p2 $0x0  }
0x1d: {  	s5 =	simm.s32 @p1 $0x1;
	p0 =	seq.s32 s7, s2  }
0x1e: {  	s7 =	smul.u32 @!p0 $0xF7A, s2;
	p2 =	seq.s32 @!p0 s5, $0x0  }
0x1f: {  	s9 =	smul.u32 $0xF7A, s1;
	s8 =	simm.s32 @!p0 $0x1BF5;
	p2 =	por !p2, p0  }
0x20: {  	[sflag:s8] =	ssyncset.s32 @!p0 $0xFFFFF086;
	s6 =	sadd.s32 @!p0 s3, s7;
	s7 =	simm.s32 @!p0 $0x108  }
0x21: {  	s3 =	sadd.s32 s3, s9;
	s6 =	sadd.s32 @!p0 $0x88, s6;
	s7 =	simm.s32 @p2 $0x1082  }
0x22: {  	[simem:s7], [sflag:s8] =	dma.local @!p0 [hbm:s6], $0xF7A  }
0x23: {  	s9 =	sor.u32 $0xD0000000, s2;
	s6 =	simm.s32 $0x108;
	_ =	swait.ge @!p0 [sflag:s8], $0x0  }
0x24: {  	s3 =	sadd.s32 $0x88, s3;
	s6 =	simm.s32 @!p1 $0x1082;
	[sflag:s4] =	ssyncset.s32 $0xFFFFF086  }
0x25: {  	[simem:s6], [sflag:s4] =	dma.local [hbm:s3], $0xF7A  }
0x26: {  	[smem:$0x3FA0] =	sst s1;
	(tag) =	ssettag s2;
	_ =	strace s9  }
0x27: {  	s1 =	sld [smem:$0x3FB0]  }
0x28: {  	s2 =	sld [smem:$0x3FB1]  }
0x29: {  	s4 =	sld [smem:$0x3FB3]  }
0x2a: {  	p0 =	seq.s32 s5, $0x0;
	s5 =	sld [smem:$0x3FB4]  }
0x2b: {  	s6 =	sld [smem:$0x3FB5]  }
0x2c: {  	s7 =	sld [smem:$0x3FB6]  }
0x2d: {  	s3 =	simm.s32 $0x108;
	s8 =	sld [smem:$0x3FB7]  }
0x2e: {  	s3 =	simm.s32 @!p0 $0x1082;
	s9 =	sld [smem:$0x3FB8]  }
0x2f: {  	lr =	sadd.s32 s0, s3;
	s0 =	sld [smem:$0x3FAF]  }
0x30: {  	s3 =	sld [smem:$0x3FB2]  }
0x31: {  	[smem:$0x3FBB] =	sst s10  }
0x32: {  	s10 =	sld [smem:$0x3FB9];
	_ =	sdelay $0x3  }
0x33: {  	p0 =	seq.s32 s10, $0x1;
	s10 =	sld [smem:$0x3FBB];
	_ =	sdelay $0x3  }
0x34: {  	[smem:$0x3FBB] =	sst s10  }
0x35: {  	s10 =	sld [smem:$0x3FBA];
	_ =	sdelay $0x3  }
0x36: {  	p1 =	seq.s32 s10, $0x1;
	s10 =	sld [smem:$0x3FBB];
	_ =	sdelay $0x3  }
0x37: {  	[smem:$0x3FBB] =	sst s10  }
0x38: {  	s10 =	sld [smem:$0x3FBC]  }
0x39: {  	_ = 	snop;
	(pc) =	sbr.ind lr, $3  }
0x3a: {  	_ = 	snop  }
0x3b: {  	_ = 	snop  }
0x3c: {  	p2 =	seq.s32 s10, $0x1;
	s10 =	sld [smem:$0x3FBB]  }
0x3d: {  	_ =	shalt  }
0x3e: {  	_ =	shalt  }
0x3f: {  	_ =	shalt  }
0x40: {  	_ =	shalt  }
0x41: {  	_ =	shalt  }
0x42: {  	_ =	shalt  }
0x43: {  	_ =	shalt  }
0x44: {  	_ =	shalt  }
0x45: {  	_ =	shalt  }
0x46: {  	_ =	shalt  }
0x47: {  	_ =	shalt  }
0x48: {  	_ =	shalt  }
0x49: {  	_ =	shalt  }
0x4a: {  	_ =	shalt  }
0x4b: {  	_ =	shalt  }
0x4c: {  	_ =	shalt  }
0x4d: {  	_ =	shalt  }
0x4e: {  	_ =	shalt  }
0x4f: {  	_ =	shalt  }
0x50: {  	_ =	shalt  }
0x51: {  	_ =	shalt  }
0x52: {  	_ =	shalt  }
0x53: {  	_ =	shalt  }
0x54: {  	_ =	shalt  }
0x55: {  	_ =	shalt  }
0x56: {  	_ =	shalt  }
0x57: {  	_ =	shalt  }
0x58: {  	_ =	shalt  }
0x59: {  	_ =	shalt  }
0x5a: {  	_ =	shalt  }
0x5b: {  	_ =	shalt  }
0x5c: {  	_ =	shalt  }
0x5d: {  	_ =	shalt  }
0x5e: {  	_ =	shalt  }
0x5f: {  	_ =	shalt  }
0x60: {  	_ =	shalt  }
0x61: {  	_ =	shalt  }
0x62: {  	_ =	shalt  }
0x63: {  	_ =	shalt  }
0x64: {  	_ =	shalt  }
0x65: {  	_ =	shalt  }
0x66: {  	_ =	shalt  }
0x67: {  	_ =	shalt  }
0x68: {  	_ =	shalt  }
0x69: {  	_ =	shalt  }
0x6a: {  	_ =	shalt  }
0x6b: {  	_ =	shalt  }
0x6c: {  	_ =	shalt  }
0x6d: {  	_ =	shalt  }
0x6e: {  	_ =	shalt  }
0x6f: {  	_ =	shalt  }
0x70: {  	_ =	shalt  }
0x71: {  	_ =	shalt  }
0x72: {  	_ =	shalt  }
0x73: {  	_ =	shalt  }
0x74: {  	_ =	shalt  }
0x75: {  	_ =	shalt  }
0x76: {  	_ =	shalt  }
0x77: {  	_ =	shalt  }
0x78: {  	_ =	shalt  }
0x79: {  	_ =	shalt  }
0x7a: {  	_ =	shalt  }
0x7b: {  	_ =	shalt  }
0x7c: {  	_ =	shalt  }
0x7d: {  	_ =	shalt  }
0x7e: {  	_ =	shalt  }
0x7f: {  	_ =	shalt  }
0x80: {  	_ =	shalt  }
0x81: {  	_ =	shalt  }
0x82: {  	_ =	shalt  }
0x83: {  	_ =	shalt  }
0x84: {  	_ =	shalt  }
0x85: {  	_ =	shalt  }
0x86: {  	_ =	shalt  }
0x87: {  	_ =	shalt  }
.Lfunc_end0:
.L_simem_size_0:
called_computation_lowered:
.L_overlay_start_0:
0x88: {  	s2 =	sld [smem:$0x3FD9]  }
0x89: {  	s3 =	sld [smem:$0x3FFE];
	_ =	sdelay $0x1  }
0x8a: {  	s1 =	srdreg.scid  }
0x8b: {  	s0 =	sand.u32 $0x1, s1  }
0x8c: {  	s18 =	sshll.u32 s0, $0xA;
	s2 =	sadd.s32 s3, s2  }
0x8d: {  	s2 =	sadd.s32 s2, s18  }
0x8e: {  	[smem:$0x3FC7] =	sst s2  }
0x8f: {  	_ = 	snop  }
0x90: {  	s2 =	sld [smem:$0x3FC9]  }
0x91: {  	s19 =	sld [smem:$0x3FD0];
	(tm) =	ssettm $0x1  }
0x92: {  	s4 =	sld [smem:$0x3FFB];
	_ =	sdelay $0x3  }
0x93: {  	_ =	strace s4  }
0x94: {  	s4 =	sld [smem:$0x3FFC];
	_ =	sdelay $0x3  }
0x95: {  	_ =	strace s4  }
0x96: {  	s4 =	sld [smem:$0x3FFD];
	_ =	sdelay $0x3  }
0x97: {  	_ =	strace s4  }
0x98: {  	_ =	strace $0x8FFFFFFF  }
0x99: {  	s20 =	sld [smem:$0x3FDB];
	_ =	sdelay $0x1  }
0x9a: {  	s5 =	simm.s32 $_scs_section_size  }
0x9b: {  	s6 =	simm.s32 $_size__tile_overlayer_lowered;
	s7 =	simm.s32 $_tile_overlayer_lowered  }
0x9c: {  	s23 =	simm.s32 $0x1BFF;
	s22 =	sshll.u32 s7, $0x1;
	s4 =	sadd.s32 s5, s20  }
0x9d: {  	s8 =	simm.s32 $0x0;
	s21 =	sshll.u32 s6, $0x1;
	s6 =	sadd.s32 s22, s4  }
0x9e: {  	[timem:s8], [sflag:s23] =	dma.local [hbm:s6], s21  }
0x9f: {  	_ =	swait.ge [sflag:s23], s21  }
0xa0: {  	s5 =	ssub.s32 $0x0, s21;
	[sflag:s23] =	ssyncset.done $0x0  }
0xa1: {  	[sflag:s23] =	ssyncadd.s32 s5;
	_ =	sdelay $0x1  }
0xa2: {  	s24 =	simm.s32 $0x1B8B  }
0xa3: {  	_ =	swait.ge [sflag:s24], $0x1  }
0xa4: {  	[sflag:s24] =	ssyncset.done $0x0  }
0xa5: {  	s25 =	simm.s32 $0x1B8E;
	[sflag:s24] =	ssyncadd.s32 $0xFFFFFFFF  }
0xa6: {  	s26 =	simm.s32 $execute0_lowered;
	[smem:$0x3FD2] =	sst s25  }
0xa7: {  	s5 =	sshll.u32 s26, $0x1;
	_ =	strace $0x80000046;
	[dreg:$0x1] =	wrdreg $0xFFFFFFFF  }
0xa8: {  	s28 =	simm.s32 $_size_execute0_lowered;
	s4 =	sadd.s32 s4, s5;
	[dreg:$0x0] =	wrdreg $0x0  }
0xa9: {  	s5 =	sshll.u32 s28, $0x1;
	[dreg:$0x2] =	wrdreg s4  }
0xaa: {  	[dreg:$0x3] =	wrdreg s5  }
0xab: {  	[dreg:$0x4] =	wrdreg $0xC0  }
0xac: {  	_ =	task [dreg:s8], $0x5FFFF  }
0xad: {  	[dreg:$0x1] =	wrdreg $0xFFFFFFFF  }
0xae: {  	[dreg:$0x0] =	wrdreg $0x60  }
0xaf: {  	[dreg:$0x2] =	wrdreg s2  }
0xb0: {  	[dreg:$0x3] =	wrdreg s19  }
0xb1: {  	[dreg:$0x4] =	wrdreg $0x9  }
0xb2: {  	_ =	task.clear_ibuf [dreg:s8], $0x5FFFF;
	_ =	strace $0x90000046  }
0xb3: {  	s29 =	simm.s32 $0x9;
	_ =	strace $0x80000048  }
0xb4: {  	_ =	swait.ge [sflag:s29], $0x1  }
0xb5: {  	[sflag:s29] =	ssyncadd.s32 $0xFFFFFFFF  }
0xb6: {  	_ =	strace $0x90000048  }
0xb7: {  	_ =	sfence  }
0xb8: {  	s30 =	sld [smem:$0x0];
	_ =	sdelay $0x2  }
0xb9: {  	s31 =	sshll.u32 s1, $0xD;
	s1 =	sshrl.u32 s1, $0x2  }
0xba: {  	s3 =	sand.u32 $0x4000, s31;
	s1 =	sadd.s32 s1, s30  }
0xbb: {  	s0 =	sor.u32 s3, s0;
	s1 =	sshll.u32 s1, $0x11  }
0xbc: {  	s0 =	sor.u32 s1, s0  }
0xbd: {  	s0 =	sadd.s32 $0x8F2B, s0  }
0xbe: {  	[sflag:s0] =	ssyncadd.remote.s32 $0x1  }
0xbf: {  	_ =	sfence.sel $0xFFFF  }
0xc0: {  	[dreg:$0x0] =	wrdreg $0xFFFFFFFF;
	(pc) =	sbr.abs _section_cstart, $3  }
0xc1: {  	[dreg:$0x1] =	wrdreg $0xFFFFFFFF  }
0xc2: {  	_ =	task.clear_ibuf [dreg:s8], $0x2FFFF;
	_ =	strace $0x9FFFFFFF  }
0xc3: {  	(tm) =	ssettm $0x7FFFFFFF  }
tec
execute0_lowered:
.L_overlay_start_1:
0x0: {  	(tag) =	ssettag $0x1  }
0x1: {  	s1 =	srdreg.scid;
	s2 =	rddreg [dreg:$0x0]  }
0x2: {  	s0 =	stileid.u32;
	s3 =	rddreg [dreg:$0x1]  }
0x3: {  	s5 =	simm.s32 $0x0;
	s9 =	simm.s32 $0x80;
	s10 =	simm.s32 $0x400  }
0x4: {  	s11 =	simm.s32 $0x2200;
	s12 =	simm.s32 $0x1;
	s6 =	sand.u32 $0x1, s1  }
0x5: {  	s13 =	simm.s32 $0x4400;
	s31 =	sshll.u32 s0, $0x8;
	s4 =	sshll.u32 s6, $0x7  }
0x6: {  	s14 =	simm.s32 $0x2;
	s15 =	simm.s32 $0x4;
	s4 =	sor.u32 s4, s31  }
.Ltmp0:
0x7: {  	s16 =	simm.s32 $0x6600;
	s7 =	sshrl.u32 s4, $0x3;
	(pc) =	sbr.rel .LBB2_1-.Ltmp0, $4  }
0x8: {  	s17 =	simm.s32 $0x3;
	s6 =	ssub.s32 $0x2, s6;
	s7 =	smul.u32 $0x2200, s7  }
0x9: {  	s18 =	simm.s32 $0x0;
	s1 =	rddreg [dreg:$0x2];
	s8 =	sshrl.u32 s6, $0x1  }
0xa: {  	v0 =	vlaneseq.u32;
	[smem:$0x7FF] =	sst s5;
	s8 =	ssub.s32 s6, s8;
	s6 =	sadd.s32 s2, s7  }
0xb: {  	v0 =	vmul.u32 $0x2, v0;
	_ =	strace $0x80000047;
	s8 =	smax.u32 s8, $0x1;
	s7 =	sadd.s32 $0x10, s6  }
.LBB2_12:
0xc: {  	s18 =	sadd.s32 $0x1, s18  }
0xd: {  	_ =	swait.ge [sflag:s17], $0x2200;
	p0 =	sne.s32 s18, s8  }
.Ltmp1:
0xe: {  	[sflag:s17] =	ssyncset.done $0x0;
	(pc) =	sbr.rel @!p0 .LBB2_13-.Ltmp1, $4  }
0xf: {  	[sflag:s17] =	ssyncadd.s32 $0xFFFFDE00  }
0x10: {  	_ =	swait.ge [sflag:s15], $0x2200  }
0x11: {  	[sflag:s15] =	ssyncset.done $0x0  }
0x12: {  	[sflag:s15] =	ssyncadd.s32 $0xFFFFDE00  }
.LBB2_1:
0x13: {  	[tilespmem:s5], [sflag:$0x1] =	stream.strided.gather [hbm4b:s6+s9], $0x2200, s10, s9, $0x38;
	[tilespmem:$0x8800] =	vst v63  }
0x14: {  	s19 =	simm.s32 $0x0  }
0x15: {  	[tilespmem:s11], [sflag:$0x2] =	stream.strided.gather [hbm4b:s7+s9], $0x2200, s10, s9, $0x38;
	[tilespmem:$0x8800] =	vst v63  }
.LBB2_2:
0x16: {  	_ =	swait.ge [sflag:s12], $0x2200  }
0x17: {  	p0 =	seq.s32 s19, $0x0;
	s20 =	simm.s32 $0xE01;
	[sflag:s12] =	ssyncset.done $0x0  }
0x18: {  	s25 =	simm.s32 $0x1E00;
	s21 =	simm.s32 @!p0 $0x3;
	v3 =	vor.u32 s20, v0;
	[sflag:s12] =	ssyncadd.s32 $0xFFFFDE00  }
0x19: {  	s22 =	simm.s32 $0x1A00;
	v1 =	vor.u32 s25, v0;
	_ =	swait.ge @!p0 [sflag:s21], $0x2200  }
0x1a: {  	s26 =	simm.s32 $0x1200;
	v2 =	vor.u32 s22, v0;
	[sflag:s21] =	ssyncset.done @!p0 $0x0  }
0x1b: {  	s28 =	simm.s32 $0xA00;
	s22 =	simm.s32 $0x0;
	v4 =	vor.u32 s26, v0;
	[sflag:s21] =	ssyncadd.s32 @!p0 $0xFFFFDE00  }
0x1c: {  	s29 =	simm.s32 $0x1600;
	v8 =	vor.u32 s28, v0;
	v10 =	vld [tilespmem:s22+$0x0]  }
0x1d: {  	s30 =	simm.s32 $0x1601;
	v5 =	vor.u32 s29, v0;
	v12 =	vld.idx.msk [tilespmem:v3+s5+$0x0], $0xffff  }
0x1e: {  	v6 =	vor.u32 s30, v0;
	s21 =	simm.s32 $0xE00;
	v14 =	vld.idx.msk [tilespmem:v1+s5+$0x0], $0xffff  }
0x1f: {  	s31 =	simm.s32 $0x600;
	v7 =	vor.u32 s21, v0;
	v15 =	vld.idx.msk [tilespmem:v2+s5+$0x0], $0xffff  }
0x20: {  	s23 =	simm.s32 $0x601;
	v11 =	vor.u32 s31, v0;
	v16 =	vld.idx.msk [tilespmem:v4+s5+$0x0], $0xffff  }
0x21: {  	v9 =	vor.u32 s23, v0;
	v18 =	vld.idx.msk [tilespmem:v8+s5+$0x0], $0xffff  }
0x22: {  	v19 =	vld.idx.msk [tilespmem:v5+s5+$0x0], $0xffff  }
0x23: {  	s24 =	simm.s32 $0x200;
	v21 =	vld.idx.msk [tilespmem:v6+s5+$0x0], $0xffff  }
0x24: {  	v13 =	vor.u32 s24, v0;
	v17 =	vld.idx.msk [tilespmem:v7+s5+$0x0], $0xffff  }
0x25: {  	s28 =	simm.s32 $0xA01;
	v24 =	vld.idx.msk [tilespmem:v11+s5+$0x0], $0xffff;
	v12 =	vadd.f32 v12, v12;
	v20 =	vsub.f32 v10, v14  }
0x26: {  	v22 =	vadd.f32 v15, v15;
	v15 =	vld.idx.msk [tilespmem:v9+s5+$0x0], $0xffff;
	v10 =	vadd.f32 v14, v10;
	v14 =	vor.u32 s28, v0  }
0x27: {  	v18 =	vadd.f32 v18, v18;
	v25 =	vadd.f32 v16, v16  }
0x28: {  	v21 =	vadd.f32 v21, v21;
	v23 =	vsub.f32 v20, v12  }
0x29: {  	v20 =	vadd.f32 v20, v12;
	v12 =	vadd.f32 v17, v17;
	v17 =	vld.idx.msk [tilespmem:v13+s5+$0x0], $0xffff  }
0x2a: {  	s29 =	simm.s32 $0x201;
	v24 =	vadd.f32 v24, v24;
	v19 =	vadd.f32 v19, v19  }
0x2b: {  	s25 =	simm.s32 $0x1201;
	v27 =	vsub.f32 v18, v25;
	v29 =	vadd.f32 v15, v15;
	v15 =	vor.u32 s29, v0;
	v36 =	vld.idx.msk [tilespmem:v14+s5+$0x0], $0xffff  }
0x2c: {  	s26 =	simm.s32 $0x1A01;
	v16 =	vadd.f32 v10, v12;
	v26 =	vsub.f32 v10, v12;
	v12 =	vor.u32 s25, v0  }
0x2d: {  	v28 =	vadd.f32 v25, v18;
	v10 =	vor.u32 s26, v0;
	v31 =	vadd.f32 v21, v29  }
0x2e: {  	v21 =	vsub.f32 v21, v29;
	v30 =	vadd.f32 v17, v17  }
0x2f: {  	v17 =	vadd.f32 v19, v24;
	v19 =	vsub.f32 v24, v19  }
0x30: {  	v37 =	vld.idx.msk [tilespmem:v15+s5+$0x0], $0xffff;
	v48 =	vadd.f32 v36, v36;
	v18 =	vadd.f32 v18, v30  }
0x31: {  	v24 =	vsub.f32 v30, v22;
	v32 =	vld.idx.msk [tilespmem:v12+s5+$0x0], $0xffff;
	v33 =	vsub.f32 v19, v31  }
0x32: {  	v34 =	vmul.f32 $3.826834260e-01, v27;
	v29 =	vld.idx.msk [tilespmem:v10+s5+$0x0], $0xffff;
	v30 =	vadd.f32 v22, v30;
	v19 =	vadd.f32 v31, v19  }
0x33: {  	v31 =	vadd.f32 v26, v21;
	v38 =	vsub.f32 v16, v17;
	v35 =	vmul.f32 $9.238795040e-01, v24  }
0x34: {  	v21 =	vsub.f32 v26, v21;
	v33 =	vmul.f32 $7.071067690e-01, v33;
	v28 =	vsub.f32 v30, v28  }
0x35: {  	v49 =	vadd.f32 v37, v37;
	v34 =	vadd.f32 v35, v34  }
0x36: {  	v19 =	vmul.f32 $7.071067690e-01, v19;
	v46 =	vadd.f32 v23, v33;
	v23 =	vsub.f32 v23, v33  }
0x37: {  	v30 =	vadd.f32 v32, v32;
	v29 =	vadd.f32 v29, v29  }
0x38: {  	v47 =	vadd.f32 v20, v19;
	v20 =	vsub.f32 v20, v19  }
0x39: {  	v27 =	vmul.f32 $9.238795040e-01, v27;
	v40 =	vadd.f32 v48, v49;
	v50 =	vadd.f32 v29, v30  }
0x3a: {  	v24 =	vmul.f32 $3.826834260e-01, v24;
	v26 =	vadd.f32 v30, v48;
	v39 =	vadd.f32 v29, v49  }
0x3b: {  	v28 =	vmul.f32 $7.071067690e-01, v28;
	v19 =	vadd.f32 v22, v25;
	v22 =	vsub.f32 v48, v49  }
0x3c: {  	v25 =	vmul.f32 $9.238795040e-01, v26;
	v51 =	vmul.f32 $3.826834260e-01, v39;
	v52 =	vsub.f32 v40, v50  }
0x3d: {  	v29 =	vsub.f32 v29, v30;
	v30 =	vmul.f32 $9.238795040e-01, v39;
	v26 =	vmul.f32 $3.826834260e-01, v26  }
0x3e: {  	v24 =	vsub.f32 v24, v27;
	v25 =	vadd.f32 v51, v25;
	v27 =	vmul.f32 $7.071067690e-01, v52  }
0x3f: {  	v29 =	vadd.f32 v29, v22;
	v22 =	vsub.f32 v30, v26  }
0x40: {  	v26 =	vadd.f32 v25, v34;
	v30 =	vsub.f32 v28, v27  }
0x41: {  	v53 =	vsub.f32 v24, v22;
	v54 =	vadd.f32 v22, v24  }
0x42: {  	v22 =	vsub.f32 v38, v29;
	v25 =	vsub.f32 v34, v25  }
0x43: {  	v29 =	vadd.f32 v38, v29;
	v55 =	vsub.f32 v31, v30  }
0x44: {  	v56 =	vadd.f32 v53, v20;
	v20 =	vsub.f32 v20, v53  }
0x45: {  	v31 =	vadd.f32 v30, v31;
	v30 =	vadd.f32 v54, v23  }
0x46: {  	v57 =	vsub.f32 v47, v26;
	v32 =	vadd.f32 v26, v47  }
0x47: {  	v24 =	vmax.f32 v22, $0.0e+00;
	v23 =	vsub.f32 v23, v54;
	v34 =	vadd.f32 v25, v46  }
0x48: {  	v25 =	vsub.f32 v46, v25;
	v20 =	vmax.f32 v20, $0.0e+00;
	v26 =	vmax.f32 v56, $0.0e+00  }
0x49: {  	v30 =	vmax.f32 v30, $0.0e+00;
	v32 =	vmax.f32 v32, $0.0e+00;
	v23 =	vmax.f32 v23, $0.0e+00  }
0x4a: {  	v59 =	vmax.f32 v34, $0.0e+00;
	v22 =	vmul.f32 $6.250000000e-02, v20;
	v20 =	vadd.f32 v27, v28  }
0x4b: {  	v60 =	vmax.f32 v25, $0.0e+00;
	v25 =	vmax.f32 v55, $0.0e+00;
	v34 =	vmax.f32 v29, $0.0e+00  }
0x4c: {  	s30 =	sshll.u32 s19, $0x1;
	v26 =	vmul.f32 $6.250000000e-02, v26;
	v28 =	vmul.f32 $6.250000000e-02, v23;
	v58 =	vsub.f32 v21, v20  }
0x4d: {  	s20 =	sadd.s32 s4, s30;
	v33 =	vmul.f32 $6.250000000e-02, v32;
	v35 =	vmul.f32 $6.250000000e-02, v59;
	v20 =	vadd.f32 v20, v21  }
0x4e: {  	s31 =	sshrl.u32 s20, $0x3;
	v61 =	vmul.f32 $6.250000000e-02, v25;
	v25 =	vmax.f32 v31, $0.0e+00;
	v23 =	vmax.f32 v58, $0.0e+00  }
0x4f: {  	s24 =	sshll.u32 s19, $0x8;
	s23 =	smul.u32 $0x11000, s31;
	v62 =	vmul.f32 $6.250000000e-02, v25;
	v20 =	vmax.f32 v20, $0.0e+00;
	v23 =	vmul.f32 $6.250000000e-02, v23  }
0x50: {  	s24 =	sand.u32 $0x300, s24;
	v21 =	vadd.f32 v22, v28;
	v25 =	vadd.f32 v33, v35;
	v63 =	vmul.f32 $6.250000000e-02, v20  }
0x51: {  	s23 =	sor.u32 s24, s23;
	v27 =	vmax.f32 v57, $0.0e+00;
	v29 =	vadd.f32 v61, v23;
	v20 =	vsub.f32 v23, v61  }
0x52: {  	s24 =	simm.s32 $0x4400;
	s25 =	simm.s32 $0x4400;
	s26 =	simm.s32 $0xE20;
	v32 =	vmul.f32 $6.250000000e-02, v60;
	v31 =	vadd.f32 v63, v62;
	v23 =	vsub.f32 v62, v63  }
.LBB2_3:
0x53: {  	p1 =	sne.s32 s26, $0x11E0;
	v33 =	vsub.f32 v35, v33;
	s22 =	sadd.s32 $0x10, s22;
	s25 =	sadd.s32 $0x10, s25  }
0x54: {  	s28 =	smov.u32 s26;
	s26 =	sadd.s32 $0x20, s26;
	v35 =	vsub.f32 v31, v29;
	v36 =	vadd.f32 v20, v23  }
0x55: {  	v16 =	vadd.f32 v16, v17;
	v17 =	vadd.f32 v19, v18  }
0x56: {  	v18 =	vmul.f32 $6.250000000e-02, v27;
	v19 =	vmul.f32 $6.250000000e-02, v30  }
0x57: {  	v27 =	vadd.f32 v16, v17;
	v16 =	vsub.f32 v16, v17  }
0x58: {  	v17 =	vmul.f32 $6.250000000e-02, v24;
	v24 =	vadd.f32 v19, v26;
	v19 =	vsub.f32 v26, v19  }
0x59: {  	v26 =	vmax.f32 v27, $0.0e+00;
	v27 =	vmul.f32 $6.250000000e-02, v34;
	v16 =	vmax.f32 v16, $0.0e+00  }
0x5a: {  	v22 =	vsub.f32 v28, v22;
	v26 =	vmul.f32 $6.250000000e-02, v26;
	v16 =	vmul.f32 $6.250000000e-02, v16  }
0x5b: {  	v30 =	vsub.f32 v24, v21;
	v28 =	vadd.f32 v17, v27  }
0x5c: {  	v37 =	vadd.f32 v22, v19;
	v34 =	vadd.f32 v16, v26  }
0x5d: {  	v38 =	vsub.f32 v19, v33;
	v16 =	vsub.f32 v26, v16  }
0x5e: {  	v39 =	vsub.f32 v18, v32;
	v35 =	vmul.f32 $7.071067690e-01, v35;
	v40 =	vadd.f32 v28, v34  }
0x5f: {  	v18 =	vadd.f32 v32, v18;
	v19 =	vadd.f32 v19, v33;
	v32 =	vmul.f32 $3.826834260e-01, v37  }
0x60: {  	v17 =	vsub.f32 v27, v17;
	v27 =	vadd.f32 v35, v16  }
0x61: {  	v16 =	vsub.f32 v16, v35;
	v35 =	vsub.f32 v39, v22  }
0x62: {  	v41 =	vadd.f32 v24, v25;
	v24 =	vadd.f32 v21, v24  }
0x63: {  	v21 =	vadd.f32 v18, v21;
	v28 =	vsub.f32 v34, v28;
	v34 =	vmul.f32 $9.238795040e-01, v37  }
0x64: {  	v29 =	vadd.f32 v29, v31;
	v31 =	vsub.f32 v25, v18  }
0x65: {  	v18 =	vadd.f32 v18, v25;
	v25 =	vmul.f32 $-7.071067690e-01, v36;
	v33 =	vadd.f32 v39, v33  }
0x66: {  	v21 =	vadd.f32 v21, v41;
	v37 =	vmul.f32 $9.238795040e-01, v31;
	v36 =	vadd.f32 v29, v40  }
0x67: {  	v41 =	vmul.f32 $3.826834260e-01, v30;
	v42 =	vmul.f32 $9.238795040e-01, v33;
	v22 =	vadd.f32 v39, v22  }
0x68: {  	v18 =	vsub.f32 v18, v24;
	v33 =	vmul.f32 $-3.826834260e-01, v33;
	v24 =	vsub.f32 v25, v17  }
0x69: {  	v20 =	vsub.f32 v20, v23;
	v30 =	vmul.f32 $9.238795040e-01, v30;
	v37 =	vadd.f32 v41, v37  }
0x6a: {  	v23 =	vmul.f32 $3.826834260e-01, v31;
	v33 =	vsub.f32 v33, v34;
	v31 =	vadd.f32 v21, v36  }
0x6b: {  	v18 =	vmul.f32 $7.071067690e-01, v18;
	v17 =	vadd.f32 v25, v17;
	v34 =	vadd.f32 v37, v27  }
0x6c: {  	v19 =	vsub.f32 v19, v22;
	v22 =	vadd.f32 v33, v24;
	[tilespmem:s24+$0x0] =	vst v31;
	s24 =	smov.u32 s25  }
0x6d: {  	v23 =	vsub.f32 v23, v30;
	v25 =	vadd.f32 v18, v28;
	[tilespmem:v13+s13+$0x0] =	vst.idx.msk $0xffff, v34  }
0x6e: {  	v19 =	vmul.f32 $-7.071067690e-01, v19;
	v13 =	vsub.f32 v28, v18;
	v18 =	vsub.f32 v32, v42;
	[tilespmem:v15+s13+$0x0] =	vst.idx.msk $0xffff, v22  }
0x6f: {  	v15 =	vsub.f32 v40, v29;
	v22 =	vadd.f32 v23, v16;
	[tilespmem:v11+s13+$0x0] =	vst.idx.msk $0xffff, v25  }
0x70: {  	v11 =	vsub.f32 v36, v21;
	v21 =	vadd.f32 v19, v20  }
0x71: {  	v16 =	vsub.f32 v16, v23;
	v19 =	vsub.f32 v19, v20  }
0x72: {  	v20 =	vsub.f32 v27, v37;
	v23 =	vadd.f32 v18, v17;
	[tilespmem:v9+s13+$0x0] =	vst.idx.msk $0xffff, v21  }
0x73: {  	v9 =	vadd.f32 v35, v38;
	v21 =	vsub.f32 v33, v24;
	[tilespmem:v8+s13+$0x0] =	vst.idx.msk $0xffff, v22  }
0x74: {  	v8 =	vsub.f32 v18, v17;
	[tilespmem:v14+s13+$0x0] =	vst.idx.msk $0xffff, v23  }
0x75: {  	[tilespmem:v7+s13+$0x0] =	vst.idx.msk $0xffff, v15  }
0x76: {  	[tilespmem:v3+s13+$0x0] =	vst.idx.msk $0xffff, v9  }
0x77: {  	[tilespmem:v4+s13+$0x0] =	vst.idx.msk $0xffff, v16  }
0x78: {  	s29 =	sadd.s32 $0x1001, s21;
	s21 =	smov.u32 s28;
	[tilespmem:v12+s13+$0x0] =	vst.idx.msk $0xffff, v8  }
0x79: {  	v4 =	vor.u32 s29, v0;
	[tilespmem:v5+s13+$0x0] =	vst.idx.msk $0xffff, v13  }
0x7a: {  	v5 =	vmul.f32 $0.0e+00, v26;
	[tilespmem:v6+s13+$0x0] =	vst.idx.msk $0xffff, v19  }
0x7b: {  	s28 =	sadd.s32 $0x1, s21;
	[tilespmem:v2+s13+$0x0] =	vst.idx.msk $0xffff, v20  }
0x7c: {  	v3 =	vor.u32 s28, v0;
	s28 =	sadd.s32 $0x1000, s21;
	[tilespmem:v10+s13+$0x0] =	vst.idx.msk $0xffff, v21  }
0x7d: {  	s29 =	sadd.s32 $0xC00, s21;
	[tilespmem:v1+s13+$0x0] =	vst.idx.msk $0xffff, v11;
	v1 =	vor.u32 s28, v0  }
0x7e: {  	v2 =	vor.u32 s29, v0;
	s28 =	sadd.s32 $0x400, s21;
	[tilespmem:v4+s13+$0x0] =	vst.idx.msk $0xffff, v5  }
0x7f: {  	v4 =	vor.u32 s28, v0  }
0x80: {  	v7 =	vor.u32 s21, v0;
	s28 =	sadd.s32 $0xFFFFFC00, s21;
	v10 =	vld [tilespmem:s22+$0x0]  }
0x81: {  	v8 =	vor.u32 s28, v0;
	s28 =	sadd.s32 $0x800, s21;
	v12 =	vld.idx.msk [tilespmem:v3+s5+$0x0], $0xffff  }
0x82: {  	v5 =	vor.u32 s28, v0;
	s28 =	sadd.s32 $0x801, s21;
	v14 =	vld.idx.msk [tilespmem:v1+s5+$0x0], $0xffff  }
0x83: {  	s29 =	sadd.s32 $0xFFFFF801, s21;
	v6 =	vor.u32 s28, v0;
	v16 =	vld.idx.msk [tilespmem:v2+s5+$0x0], $0xffff  }
0x84: {  	s30 =	sadd.s32 $0xFFFFF401, s21;
	s31 =	sadd.s32 $0xFFFFF800, s21;
	v9 =	vor.u32 s29, v0;
	s28 =	sadd.s32 $0xFFFFF400, s21;
	v17 =	vld.idx.msk [tilespmem:v4+s5+$0x0], $0xffff  }
0x85: {  	v15 =	vor.u32 s30, v0;
	v11 =	vor.u32 s31, v0;
	v13 =	vor.u32 s28, v0;
	v18 =	vld.idx.msk [tilespmem:v7+s5+$0x0], $0xffff  }
0x86: {  	v19 =	vld.idx.msk [tilespmem:v8+s5+$0x0], $0xffff  }
0x87: {  	v20 =	vld.idx.msk [tilespmem:v5+s5+$0x0], $0xffff  }
0x88: {  	v12 =	vadd.f32 v12, v12;
	v22 =	vsub.f32 v10, v14;
	v21 =	vld.idx.msk [tilespmem:v6+s5+$0x0], $0xffff  }
0x89: {  	v24 =	vadd.f32 v16, v16;
	v23 =	vld.idx.msk [tilespmem:v9+s5+$0x0], $0xffff  }
0x8a: {  	v26 =	vsub.f32 v22, v12;
	v22 =	vadd.f32 v22, v12;
	v25 =	vld.idx.msk [tilespmem:v11+s5+$0x0], $0xffff  }
0x8b: {  	s28 =	sadd.s32 $0x401, s21;
	v10 =	vadd.f32 v14, v10;
	v18 =	vadd.f32 v18, v18;
	v27 =	vld.idx.msk [tilespmem:v13+s5+$0x0], $0xffff  }
0x8c: {  	s29 =	sadd.s32 $0xFFFFFC01, s21;
	v12 =	vor.u32 s28, v0;
	v29 =	vadd.f32 v17, v17;
	v19 =	vadd.f32 v19, v19;
	v28 =	vld.idx.msk [tilespmem:v15+s5+$0x0], $0xffff  }
0x8d: {  	v14 =	vor.u32 s29, v0;
	s28 =	sadd.s32 $0xC01, s21;
	v16 =	vadd.f32 v10, v18;
	v30 =	vsub.f32 v10, v18  }
0x8e: {  	v10 =	vor.u32 s28, v0;
	v31 =	vsub.f32 v19, v29;
	v32 =	vadd.f32 v29, v19  }
0x8f: {  	v21 =	vadd.f32 v21, v21;
	v23 =	vadd.f32 v23, v23  }
0x90: {  	v20 =	vadd.f32 v20, v20;
	v18 =	vadd.f32 v25, v25  }
0x91: {  	v27 =	vadd.f32 v27, v27;
	v33 =	vadd.f32 v21, v23;
	v25 =	vld.idx.msk [tilespmem:v12+s5+$0x0], $0xffff  }
0x92: {  	v17 =	vadd.f32 v20, v18;
	v20 =	vsub.f32 v18, v20;
	v34 =	vld.idx.msk [tilespmem:v14+s5+$0x0], $0xffff  }
0x93: {  	v18 =	vadd.f32 v19, v27;
	v19 =	vsub.f32 v27, v24;
	v35 =	vld.idx.msk [tilespmem:v10+s5+$0x0], $0xffff  }
0x94: {  	v21 =	vsub.f32 v21, v23;
	v23 =	vmul.f32 $3.826834260e-01, v31;
	v36 =	vsub.f32 v20, v33  }
0x95: {  	v37 =	vmul.f32 $9.238795040e-01, v19;
	v38 =	vmul.f32 $3.826834260e-01, v19;
	v19 =	vadd.f32 v24, v27  }
0x96: {  	v20 =	vadd.f32 v33, v20;
	v33 =	vadd.f32 v30, v21;
	v27 =	vmul.f32 $7.071067690e-01, v36  }
0x97: {  	v23 =	vadd.f32 v37, v23;
	v19 =	vsub.f32 v19, v32  }
0x98: {  	v20 =	vmul.f32 $7.071067690e-01, v20;
	v36 =	vsub.f32 v16, v17;
	v32 =	vadd.f32 v26, v27  }
0x99: {  	v25 =	vadd.f32 v25, v25;
	v26 =	vsub.f32 v26, v27;
	v27 =	vmul.f32 $9.238795040e-01, v31  }
0x9a: {  	v31 =	vadd.f32 v35, v35;
	v35 =	vadd.f32 v22, v20  }
0x9b: {  	v34 =	vadd.f32 v34, v34;
	v20 =	vsub.f32 v22, v20;
	v37 =	vmul.f32 $7.071067690e-01, v19  }
0x9c: {  	v22 =	vadd.f32 v28, v28;
	v28 =	vadd.f32 v31, v25  }
0x9d: {  	v21 =	vsub.f32 v30, v21;
	v30 =	vadd.f32 v25, v34  }
0x9e: {  	v39 =	vadd.f32 v31, v22;
	v40 =	vadd.f32 v34, v22  }
0x9f: {  	v19 =	vadd.f32 v24, v29;
	v22 =	vsub.f32 v34, v22;
	v24 =	vmul.f32 $9.238795040e-01, v30  }
0xa0: {  	v25 =	vsub.f32 v31, v25;
	v29 =	vmul.f32 $3.826834260e-01, v39;
	v28 =	vsub.f32 v40, v28  }
0xa1: {  	v27 =	vsub.f32 v38, v27;
	v30 =	vmul.f32 $3.826834260e-01, v30;
	v31 =	vmul.f32 $9.238795040e-01, v39  }
0xa2: {  	v25 =	vadd.f32 v25, v22;
	v29 =	vadd.f32 v29, v24;
	v28 =	vmul.f32 $7.071067690e-01, v28  }
0xa3: {  	v22 =	vsub.f32 v31, v30  }
0xa4: {  	v30 =	vadd.f32 v29, v23;
	v24 =	vsub.f32 v37, v28  }
0xa5: {  	v31 =	vsub.f32 v27, v22;
	v27 =	vadd.f32 v22, v27  }
0xa6: {  	v22 =	vsub.f32 v36, v25;
	v34 =	vsub.f32 v33, v24  }
0xa7: {  	v38 =	vadd.f32 v31, v20;
	v20 =	vsub.f32 v20, v31  }
0xa8: {  	v31 =	vadd.f32 v24, v33;
	v33 =	vadd.f32 v27, v26;
	v24 =	vmax.f32 v22, $0.0e+00  }
0xa9: {  	v39 =	vsub.f32 v35, v30;
	v35 =	vadd.f32 v30, v35;
	v20 =	vmax.f32 v20, $0.0e+00  }
0xaa: {  	v38 =	vmax.f32 v38, $0.0e+00;
	v30 =	vmax.f32 v33, $0.0e+00;
	v22 =	vmul.f32 $6.250000000e-02, v20  }
0xab: {  	v20 =	vadd.f32 v28, v37;
	v28 =	vsub.f32 v26, v27;
	v26 =	vmul.f32 $6.250000000e-02, v38  }
0xac: {  	v23 =	vsub.f32 v23, v29;
	v29 =	vmax.f32 v35, $0.0e+00;
	v27 =	vmax.f32 v39, $0.0e+00  }
0xad: {  	v33 =	vsub.f32 v21, v20;
	v28 =	vmax.f32 v28, $0.0e+00  }
0xae: {  	v35 =	vadd.f32 v23, v32;
	v23 =	vsub.f32 v32, v23;
	v28 =	vmul.f32 $6.250000000e-02, v28  }
0xaf: {  	v20 =	vadd.f32 v20, v21;
	v32 =	vmax.f32 v33, $0.0e+00;
	v33 =	vmul.f32 $6.250000000e-02, v29  }
0xb0: {  	v23 =	vmax.f32 v23, $0.0e+00;
	v29 =	vmax.f32 v35, $0.0e+00;
	v21 =	vadd.f32 v22, v28  }
0xb1: {  	v25 =	vadd.f32 v36, v25;
	v35 =	vmul.f32 $6.250000000e-02, v29  }
0xb2: {  	v36 =	vmul.f32 $6.250000000e-02, v32;
	v29 =	vmax.f32 v34, $0.0e+00  }
.Ltmp2:
0xb3: {  	v34 =	vmax.f32 v25, $0.0e+00;
	v37 =	vmul.f32 $6.250000000e-02, v29;
	(pc) =	sbr.rel @p1 .LBB2_3-.Ltmp2, $4  }
0xb4: {  	v20 =	vmax.f32 v20, $0.0e+00;
	v25 =	vmax.f32 v31, $0.0e+00  }
0xb5: {  	v39 =	vmul.f32 $6.250000000e-02, v20;
	v38 =	vmul.f32 $6.250000000e-02, v25;
	v25 =	vadd.f32 v33, v35  }
0xb6: {  	v32 =	vmul.f32 $6.250000000e-02, v23;
	v29 =	vadd.f32 v37, v36;
	v20 =	vsub.f32 v36, v37  }
0xb7: {  	v31 =	vadd.f32 v39, v38;
	v23 =	vsub.f32 v38, v39  }
0xb8: {  	v16 =	vadd.f32 v16, v17;
	v46 =	vadd.f32 v19, v18  }
0xb9: {  	v18 =	vsub.f32 v35, v33;
	v30 =	vmul.f32 $6.250000000e-02, v30;
	v22 =	vsub.f32 v28, v22  }
0xba: {  	v24 =	vmul.f32 $6.250000000e-02, v24;
	v47 =	vsub.f32 v31, v29;
	v49 =	vadd.f32 v20, v23  }
0xbb: {  	v34 =	vmul.f32 $6.250000000e-02, v34;
	v56 =	vadd.f32 v29, v31;
	v44 =	vsub.f32 v20, v23  }
0xbc: {  	v27 =	vmul.f32 $6.250000000e-02, v27;
	v48 =	vadd.f32 v16, v46;
	v16 =	vsub.f32 v16, v46  }
0xbd: {  	v50 =	vadd.f32 v30, v26;
	v26 =	vsub.f32 v26, v30  }
0xbe: {  	v51 =	vadd.f32 v24, v34;
	v38 =	vsub.f32 v27, v32  }
0xbf: {  	v27 =	vadd.f32 v32, v27;
	v24 =	vsub.f32 v34, v24  }
0xc0: {  	v52 =	vsub.f32 v50, v21;
	v37 =	vadd.f32 v22, v26  }
0xc1: {  	v17 =	vmul.f32 $-7.071067690e-01, v49;
	v53 =	vadd.f32 v26, v18;
	v54 =	vadd.f32 v50, v25  }
0xc2: {  	v33 =	vmax.f32 v48, $0.0e+00;
	v35 =	vadd.f32 v21, v50;
	v55 =	vadd.f32 v27, v21  }
0xc3: {  	v16 =	vmax.f32 v16, $0.0e+00;
	v58 =	vsub.f32 v25, v27;
	v59 =	vadd.f32 v27, v25  }
0xc4: {  	v60 =	vadd.f32 v38, v18;
	v30 =	vmul.f32 $6.250000000e-02, v33;
	v16 =	vmul.f32 $6.250000000e-02, v16  }
0xc5: {  	v42 =	vadd.f32 v38, v22;
	v62 =	vsub.f32 v17, v24  }
0xc6: {  	v19 =	vmul.f32 $7.071067690e-01, v47;
	v17 =	vadd.f32 v17, v24;
	v36 =	vadd.f32 v16, v30  }
0xc7: {  	v57 =	vmul.f32 $3.826834260e-01, v37;
	v61 =	vmul.f32 $9.238795040e-01, v58;
	v16 =	vsub.f32 v30, v16  }
0xc8: {  	v41 =	vmul.f32 $3.826834260e-01, v52;
	v25 =	vsub.f32 v59, v35;
	v39 =	vadd.f32 v51, v36  }
0xc9: {  	v37 =	vmul.f32 $9.238795040e-01, v37;
	v34 =	vadd.f32 v19, v16;
	v16 =	vsub.f32 v16, v19  }
0xca: {  	v63 =	vmul.f32 $-3.826834260e-01, v60;
	v19 =	vadd.f32 v55, v54;
	v40 =	vadd.f32 v56, v39  }
0xcb: {  	v33 =	vmul.f32 $9.238795040e-01, v52;
	v32 =	vsub.f32 v53, v42;
	v21 =	vadd.f32 v41, v61  }
0xcc: {  	v37 =	vsub.f32 v63, v37;
	v25 =	vmul.f32 $7.071067690e-01, v25;
	v45 =	vadd.f32 v19, v40  }
0xcd: {  	v28 =	vsub.f32 v36, v51;
	v36 =	vmul.f32 $3.826834260e-01, v58;
	v46 =	vadd.f32 v21, v34  }
0xce: {  	v27 =	vmul.f32 $9.238795040e-01, v60;
	v48 =	vmul.f32 $-7.071067690e-01, v32;
	v47 =	vadd.f32 v37, v62;
	[tilespmem:s24+$0x0] =	vst v45  }
0xcf: {  	v49 =	vsub.f32 v36, v33;
	v50 =	vadd.f32 v25, v28;
	[tilespmem:v13+s13+$0x0] =	vst.idx.msk $0xffff, v46  }
0xd0: {  	v51 =	vsub.f32 v57, v27;
	v52 =	vadd.f32 v48, v44;
	[tilespmem:v15+s13+$0x0] =	vst.idx.msk $0xffff, v47  }
0xd1: {  	v18 =	vsub.f32 v26, v18;
	v53 =	vadd.f32 v49, v16;
	[tilespmem:v11+s13+$0x0] =	vst.idx.msk $0xffff, v50  }
0xd2: {  	v54 =	vsub.f32 v38, v22;
	v55 =	vadd.f32 v51, v17;
	[tilespmem:v9+s13+$0x0] =	vst.idx.msk $0xffff, v52  }
0xd3: {  	v56 =	vsub.f32 v39, v56;
	[tilespmem:v8+s13+$0x0] =	vst.idx.msk $0xffff, v53  }
0xd4: {  	v57 =	vadd.f32 v54, v18;
	[tilespmem:v14+s13+$0x0] =	vst.idx.msk $0xffff, v55  }
0xd5: {  	v58 =	vsub.f32 v16, v49;
	[tilespmem:v7+s13+$0x0] =	vst.idx.msk $0xffff, v56  }
0xd6: {  	v59 =	vsub.f32 v51, v17;
	[tilespmem:v3+s13+$0x0] =	vst.idx.msk $0xffff, v57  }
0xd7: {  	v3 =	vsub.f32 v28, v25;
	[tilespmem:v4+s13+$0x0] =	vst.idx.msk $0xffff, v58  }
0xd8: {  	s21 =	sadd.s32 $0x1001, s21;
	v60 =	vsub.f32 v48, v44;
	[tilespmem:v12+s13+$0x0] =	vst.idx.msk $0xffff, v59  }
0xd9: {  	v61 =	vsub.f32 v34, v21;
	[tilespmem:v5+s13+$0x0] =	vst.idx.msk $0xffff, v3;
	v3 =	vor.u32 s21, v0  }
0xda: {  	p1 =	sne.s32 s19, $0x3F;
	v62 =	vsub.f32 v37, v62;
	[tilespmem:v6+s13+$0x0] =	vst.idx.msk $0xffff, v60  }
.Ltmp3:
0xdb: {  	v63 =	vsub.f32 v40, v19;
	[tilespmem:v2+s13+$0x0] =	vst.idx.msk $0xffff, v61;
	(pc) =	sbr.rel @p1 .LBB2_6-.Ltmp3, $4  }
0xdc: {  	v2 =	vmul.f32 $0.0e+00, v30;
	[tilespmem:v10+s13+$0x0] =	vst.idx.msk $0xffff, v62  }
0xdd: {  	s21 =	sshrl.u32 s23, $0x3;
	[tilespmem:v1+s13+$0x0] =	vst.idx.msk $0xffff, v63  }
0xde: {  	s22 =	sadd.s32 s3, s21;
	[tilespmem:v3+s13+$0x0] =	vst.idx.msk $0xffff, v2  }
0xdf: {  	[hbm4b:s22+s9] =	stream.strided.scatter [tilespmem:s13], [sflag:$0x3], $0x2200, s10, s9, $0x38;
	[tilespmem:$0x8800] =	vst v63  }
.Ltmp4:
0xe0: {  	(pc) =	sbr.rel .LBB2_7-.Ltmp4, $4  }
0xe1: {  	_ = 	snop  }
0xe2: {  	_ =	swait.ge [sflag:s14], $0x2200  }
0xe3: {  	[sflag:s14] =	ssyncset.done $0x0  }
0xe4: {  	[sflag:s14] =	ssyncadd.s32 $0xFFFFDE00  }
.LBB2_6:
0xe5: {  	s22 =	sadd.s32 $0x2, s20  }
0xe6: {  	s23 =	sshrl.u32 s22, $0x3  }
0xe7: {  	s22 =	sshll.u32 s22, $0x7;
	s23 =	smul.u32 $0x11000, s23  }
0xe8: {  	s22 =	sand.u32 $0x300, s22  }
0xe9: {  	s22 =	sor.u32 s22, s23  }
0xea: {  	s22 =	sshrl.u32 s22, $0x3  }
.Ltmp5:
0xeb: {  	s22 =	sadd.s32 s2, s22;
	(pc) =	sbr.rel @p0 .LBB2_8-.Ltmp5, $4  }
0xec: {  	[tilespmem:s5], [sflag:$0x1] =	stream.strided.gather [hbm4b:s22+s9], $0x2200, s10, s9, $0x38;
	[tilespmem:$0x8800] =	vst v63  }
0xed: {  	_ =	swait.ge [sflag:s14], $0x2200  }
0xee: {  	[sflag:s14] =	ssyncset.done $0x0  }
0xef: {  	[sflag:s14] =	ssyncadd.s32 $0xFFFFDE00  }
.LBB2_7:
0xf0: {  	_ =	swait.ge [sflag:s15], $0x2200  }
0xf1: {  	[sflag:s15] =	ssyncset.done $0x0  }
0xf2: {  	[sflag:s15] =	ssyncadd.s32 $0xFFFFDE00  }
.LBB2_8:
0xf3: {  	s22 =	simm.s32 $0xE01  }
0xf4: {  	s26 =	simm.s32 $0x1E00;
	v3 =	vor.u32 s22, v0  }
0xf5: {  	s23 =	simm.s32 $0x1A00;
	v1 =	vor.u32 s26, v0  }
0xf6: {  	s24 =	simm.s32 $0x1200;
	v2 =	vor.u32 s23, v0  }
0xf7: {  	s28 =	simm.s32 $0xA00;
	s23 =	simm.s32 $0x2200;
	v4 =	vor.u32 s24, v0  }
0xf8: {  	s30 =	simm.s32 $0x1601;
	v8 =	vor.u32 s28, v0;
	v10 =	vld [tilespmem:s23+$0x0]  }
0xf9: {  	s22 =	simm.s32 $0xE00;
	v6 =	vor.u32 s30, v0;
	v12 =	vld.idx.msk [tilespmem:v3+s11+$0x0], $0xffff  }
0xfa: {  	s31 =	simm.s32 $0x600;
	v7 =	vor.u32 s22, v0;
	v14 =	vld.idx.msk [tilespmem:v1+s11+$0x0], $0xffff  }
0xfb: {  	s29 =	simm.s32 $0x1600;
	v11 =	vor.u32 s31, v0;
	v15 =	vld.idx.msk [tilespmem:v2+s11+$0x0], $0xffff  }
0xfc: {  	s25 =	simm.s32 $0x601;
	v5 =	vor.u32 s29, v0;
	v16 =	vld.idx.msk [tilespmem:v4+s11+$0x0], $0xffff  }
0xfd: {  	v9 =	vor.u32 s25, v0;
	v18 =	vld.idx.msk [tilespmem:v8+s11+$0x0], $0xffff  }
0xfe: {  	s26 =	simm.s32 $0x200;
	v21 =	vld.idx.msk [tilespmem:v6+s11+$0x0], $0xffff  }
0xff: {  	v13 =	vor.u32 s26, v0;
	v17 =	vld.idx.msk [tilespmem:v7+s11+$0x0], $0xffff  }
0x100: {  	v24 =	vld.idx.msk [tilespmem:v11+s11+$0x0], $0xffff;
	v12 =	vadd.f32 v12, v12  }
0x101: {  	v19 =	vld.idx.msk [tilespmem:v5+s11+$0x0], $0xffff;
	v20 =	vsub.f32 v10, v14;
	v22 =	vadd.f32 v15, v15  }
0x102: {  	v15 =	vld.idx.msk [tilespmem:v9+s11+$0x0], $0xffff;
	v10 =	vadd.f32 v14, v10;
	v18 =	vadd.f32 v18, v18  }
0x103: {  	v25 =	vadd.f32 v16, v16;
	v23 =	vsub.f32 v20, v12  }
0x104: {  	v20 =	vadd.f32 v20, v12;
	v12 =	vadd.f32 v17, v17;
	v17 =	vld.idx.msk [tilespmem:v13+s11+$0x0], $0xffff  }
0x105: {  	s30 =	simm.s32 $0xA01;
	v21 =	vadd.f32 v21, v21;
	v24 =	vadd.f32 v24, v24  }
0x106: {  	v19 =	vadd.f32 v19, v19;
	v14 =	vor.u32 s30, v0;
	v27 =	vsub.f32 v18, v25  }
0x107: {  	s28 =	simm.s32 $0x1201;
	v28 =	vadd.f32 v25, v18;
	v29 =	vadd.f32 v15, v15  }
0x108: {  	s29 =	simm.s32 $0x1A01;
	v16 =	vadd.f32 v10, v12;
	v26 =	vsub.f32 v10, v12;
	v12 =	vor.u32 s28, v0  }
0x109: {  	s31 =	simm.s32 $0x201;
	v10 =	vor.u32 s29, v0;
	v30 =	vadd.f32 v17, v17;
	v31 =	vadd.f32 v21, v29  }
0x10a: {  	v15 =	vor.u32 s31, v0;
	v17 =	vadd.f32 v19, v24;
	v19 =	vsub.f32 v24, v19  }
0x10b: {  	v36 =	vld.idx.msk [tilespmem:v14+s11+$0x0], $0xffff;
	v21 =	vsub.f32 v21, v29;
	v18 =	vadd.f32 v18, v30  }
0x10c: {  	v24 =	vsub.f32 v30, v22;
	v33 =	vsub.f32 v19, v31  }
0x10d: {  	v32 =	vld.idx.msk [tilespmem:v12+s11+$0x0], $0xffff;
	v30 =	vadd.f32 v22, v30;
	v19 =	vadd.f32 v31, v19  }
0x10e: {  	v34 =	vmul.f32 $3.826834260e-01, v27;
	v29 =	vld.idx.msk [tilespmem:v10+s11+$0x0], $0xffff;
	v31 =	vadd.f32 v26, v21;
	v49 =	vsub.f32 v16, v17  }
0x10f: {  	v21 =	vsub.f32 v26, v21;
	v37 =	vld.idx.msk [tilespmem:v15+s11+$0x0], $0xffff;
	v35 =	vmul.f32 $9.238795040e-01, v24;
	v33 =	vmul.f32 $7.071067690e-01, v33  }
0x110: {  	v36 =	vadd.f32 v36, v36;
	v28 =	vsub.f32 v30, v28  }
0x111: {  	v19 =	vmul.f32 $7.071067690e-01, v19;
	v34 =	vadd.f32 v35, v34;
	v30 =	vadd.f32 v23, v33  }
0x112: {  	v33 =	vsub.f32 v23, v33;
	v32 =	vadd.f32 v32, v32  }
0x113: {  	v23 =	vadd.f32 v29, v29;
	v29 =	vadd.f32 v20, v19  }
0x114: {  	v20 =	vsub.f32 v20, v19;
	v37 =	vadd.f32 v37, v37  }
0x115: {  	v19 =	vadd.f32 v22, v25;
	v38 =	vadd.f32 v23, v32  }
0x116: {  	v27 =	vmul.f32 $9.238795040e-01, v27;
	v26 =	vadd.f32 v32, v36;
	v39 =	vadd.f32 v23, v37  }
0x117: {  	v24 =	vmul.f32 $3.826834260e-01, v24;
	v40 =	vadd.f32 v36, v37;
	v22 =	vsub.f32 v36, v37  }
0x118: {  	v23 =	vsub.f32 v23, v32;
	v25 =	vmul.f32 $9.238795040e-01, v26;
	v50 =	vmul.f32 $3.826834260e-01, v39  }
0x119: {  	v26 =	vmul.f32 $3.826834260e-01, v26;
	v51 =	vsub.f32 v40, v38;
	v52 =	vmul.f32 $9.238795040e-01, v39  }
0x11a: {  	v28 =	vmul.f32 $7.071067690e-01, v28;
	v53 =	vadd.f32 v23, v22;
	v25 =	vadd.f32 v50, v25  }
0x11b: {  	v24 =	vsub.f32 v24, v27;
	v27 =	vmul.f32 $7.071067690e-01, v51;
	v22 =	vsub.f32 v52, v26  }
0x11c: {  	v60 =	vadd.f32 v49, v53;
	v23 =	vadd.f32 v25, v34  }
0x11d: {  	v26 =	vsub.f32 v28, v27;
	v32 =	vsub.f32 v24, v22  }
0x11e: {  	v22 =	vadd.f32 v22, v24;
	v24 =	vsub.f32 v49, v53  }
0x11f: {  	v25 =	vsub.f32 v34, v25;
	v54 =	vsub.f32 v31, v26  }
0x120: {  	v55 =	vadd.f32 v32, v20;
	v20 =	vsub.f32 v20, v32  }
0x121: {  	v56 =	vadd.f32 v26, v31;
	v26 =	vadd.f32 v22, v33  }
0x122: {  	v57 =	vsub.f32 v29, v23;
	v29 =	vadd.f32 v23, v29  }
0x123: {  	v24 =	vmax.f32 v24, $0.0e+00;
	v22 =	vsub.f32 v33, v22;
	v59 =	vadd.f32 v25, v30  }
0x124: {  	v25 =	vsub.f32 v30, v25;
	v33 =	vmax.f32 v60, $0.0e+00;
	v20 =	vmax.f32 v20, $0.0e+00  }
0x125: {  	v38 =	vmax.f32 v55, $0.0e+00;
	v31 =	vmax.f32 v26, $0.0e+00;
	v22 =	vmax.f32 v22, $0.0e+00  }
0x126: {  	v30 =	vmax.f32 v25, $0.0e+00;
	v23 =	vmul.f32 $6.250000000e-02, v20;
	v20 =	vadd.f32 v27, v28  }
0x127: {  	v25 =	vmax.f32 v54, $0.0e+00;
	v26 =	vmul.f32 $6.250000000e-02, v38;
	v27 =	vmax.f32 v29, $0.0e+00  }
0x128: {  	v29 =	vmul.f32 $6.250000000e-02, v22;
	v61 =	vmul.f32 $6.250000000e-02, v25;
	v58 =	vsub.f32 v21, v20  }
0x129: {  	v34 =	vmul.f32 $6.250000000e-02, v27;
	v27 =	vmax.f32 v59, $0.0e+00;
	v20 =	vadd.f32 v20, v21  }
0x12a: {  	v25 =	vmax.f32 v56, $0.0e+00;
	v35 =	vmul.f32 $6.250000000e-02, v27;
	v21 =	vmax.f32 v58, $0.0e+00  }
0x12b: {  	v62 =	vmul.f32 $6.250000000e-02, v25;
	v20 =	vmax.f32 v20, $0.0e+00;
	v21 =	vmul.f32 $6.250000000e-02, v21  }
0x12c: {  	v22 =	vadd.f32 v23, v29;
	v25 =	vadd.f32 v34, v35;
	v63 =	vmul.f32 $6.250000000e-02, v20  }
0x12d: {  	v28 =	vmax.f32 v57, $0.0e+00;
	v27 =	vadd.f32 v61, v21;
	v20 =	vsub.f32 v21, v61  }
0x12e: {  	s25 =	simm.s32 $0x6600;
	s24 =	simm.s32 $0x6600;
	s26 =	simm.s32 $0xE20;
	v32 =	vmul.f32 $6.250000000e-02, v30;
	v30 =	vadd.f32 v63, v62;
	v21 =	vsub.f32 v62, v63  }
.LBB2_9:
0x12f: {  	p0 =	sne.s32 s26, $0x11E0;
	v34 =	vsub.f32 v35, v34;
	s23 =	sadd.s32 $0x10, s23;
	s25 =	sadd.s32 $0x10, s25  }
0x130: {  	s28 =	smov.u32 s26;
	s26 =	sadd.s32 $0x20, s26;
	v35 =	vsub.f32 v30, v27;
	v36 =	vadd.f32 v20, v21  }
0x131: {  	v16 =	vadd.f32 v16, v17;
	v17 =	vadd.f32 v19, v18  }
0x132: {  	v18 =	vmul.f32 $6.250000000e-02, v28;
	v19 =	vmul.f32 $6.250000000e-02, v31  }
0x133: {  	v28 =	vadd.f32 v16, v17;
	v16 =	vsub.f32 v16, v17  }
0x134: {  	v17 =	vmul.f32 $6.250000000e-02, v24;
	v24 =	vadd.f32 v19, v26;
	v19 =	vsub.f32 v26, v19  }
0x135: {  	v26 =	vmax.f32 v28, $0.0e+00;
	v28 =	vmul.f32 $6.250000000e-02, v33;
	v16 =	vmax.f32 v16, $0.0e+00  }
0x136: {  	v23 =	vsub.f32 v29, v23;
	v26 =	vmul.f32 $6.250000000e-02, v26;
	v16 =	vmul.f32 $6.250000000e-02, v16  }
0x137: {  	v31 =	vsub.f32 v24, v22;
	v29 =	vadd.f32 v17, v28  }
0x138: {  	v37 =	vadd.f32 v23, v19;
	v33 =	vadd.f32 v16, v26  }
0x139: {  	v38 =	vsub.f32 v19, v34;
	v16 =	vsub.f32 v26, v16  }
0x13a: {  	v39 =	vsub.f32 v18, v32;
	v35 =	vmul.f32 $7.071067690e-01, v35;
	v40 =	vadd.f32 v29, v33  }
0x13b: {  	v18 =	vadd.f32 v32, v18;
	v19 =	vadd.f32 v19, v34;
	v32 =	vmul.f32 $3.826834260e-01, v37  }
0x13c: {  	v17 =	vsub.f32 v28, v17;
	v28 =	vadd.f32 v35, v16  }
0x13d: {  	v16 =	vsub.f32 v16, v35;
	v35 =	vsub.f32 v39, v23  }
0x13e: {  	v41 =	vadd.f32 v24, v25;
	v24 =	vadd.f32 v22, v24  }
0x13f: {  	v22 =	vadd.f32 v18, v22;
	v29 =	vsub.f32 v33, v29;
	v33 =	vmul.f32 $9.238795040e-01, v37  }
0x140: {  	v27 =	vadd.f32 v27, v30;
	v30 =	vsub.f32 v25, v18  }
0x141: {  	v18 =	vadd.f32 v18, v25;
	v25 =	vmul.f32 $-7.071067690e-01, v36;
	v34 =	vadd.f32 v39, v34  }
0x142: {  	v22 =	vadd.f32 v22, v41;
	v37 =	vmul.f32 $9.238795040e-01, v30;
	v36 =	vadd.f32 v27, v40  }
0x143: {  	v41 =	vmul.f32 $3.826834260e-01, v31;
	v42 =	vmul.f32 $9.238795040e-01, v34;
	v23 =	vadd.f32 v39, v23  }
0x144: {  	v18 =	vsub.f32 v18, v24;
	v34 =	vmul.f32 $-3.826834260e-01, v34;
	v24 =	vsub.f32 v25, v17  }
0x145: {  	v20 =	vsub.f32 v20, v21;
	v31 =	vmul.f32 $9.238795040e-01, v31;
	v37 =	vadd.f32 v41, v37  }
0x146: {  	v21 =	vmul.f32 $3.826834260e-01, v30;
	v33 =	vsub.f32 v34, v33;
	v30 =	vadd.f32 v22, v36  }
0x147: {  	v18 =	vmul.f32 $7.071067690e-01, v18;
	v17 =	vadd.f32 v25, v17;
	v34 =	vadd.f32 v37, v28  }
0x148: {  	v19 =	vsub.f32 v19, v23;
	v23 =	vadd.f32 v33, v24;
	[tilespmem:s24+$0x0] =	vst v30;
	s24 =	smov.u32 s25  }
0x149: {  	v21 =	vsub.f32 v21, v31;
	v25 =	vadd.f32 v18, v29;
	[tilespmem:v13+s16+$0x0] =	vst.idx.msk $0xffff, v34  }
0x14a: {  	v19 =	vmul.f32 $-7.071067690e-01, v19;
	v13 =	vsub.f32 v29, v18;
	v18 =	vsub.f32 v32, v42;
	[tilespmem:v15+s16+$0x0] =	vst.idx.msk $0xffff, v23  }
0x14b: {  	v15 =	vsub.f32 v40, v27;
	v23 =	vadd.f32 v21, v16;
	[tilespmem:v11+s16+$0x0] =	vst.idx.msk $0xffff, v25  }
0x14c: {  	v11 =	vsub.f32 v36, v22;
	v22 =	vadd.f32 v19, v20  }
0x14d: {  	v16 =	vsub.f32 v16, v21;
	v19 =	vsub.f32 v19, v20  }
0x14e: {  	v20 =	vsub.f32 v28, v37;
	v21 =	vadd.f32 v18, v17;
	[tilespmem:v9+s16+$0x0] =	vst.idx.msk $0xffff, v22  }
0x14f: {  	v9 =	vadd.f32 v35, v38;
	v22 =	vsub.f32 v33, v24;
	[tilespmem:v8+s16+$0x0] =	vst.idx.msk $0xffff, v23  }
0x150: {  	v8 =	vsub.f32 v18, v17;
	[tilespmem:v14+s16+$0x0] =	vst.idx.msk $0xffff, v21  }
0x151: {  	[tilespmem:v7+s16+$0x0] =	vst.idx.msk $0xffff, v15  }
0x152: {  	[tilespmem:v3+s16+$0x0] =	vst.idx.msk $0xffff, v9  }
0x153: {  	[tilespmem:v4+s16+$0x0] =	vst.idx.msk $0xffff, v16  }
0x154: {  	s29 =	sadd.s32 $0x1001, s22;
	s22 =	smov.u32 s28;
	[tilespmem:v12+s16+$0x0] =	vst.idx.msk $0xffff, v8  }
0x155: {  	v4 =	vor.u32 s29, v0;
	[tilespmem:v5+s16+$0x0] =	vst.idx.msk $0xffff, v13  }
0x156: {  	v5 =	vmul.f32 $0.0e+00, v26;
	[tilespmem:v6+s16+$0x0] =	vst.idx.msk $0xffff, v19  }
0x157: {  	s28 =	sadd.s32 $0x1, s22;
	[tilespmem:v2+s16+$0x0] =	vst.idx.msk $0xffff, v20  }
0x158: {  	v3 =	vor.u32 s28, v0;
	s28 =	sadd.s32 $0x1000, s22;
	[tilespmem:v10+s16+$0x0] =	vst.idx.msk $0xffff, v22  }
0x159: {  	s29 =	sadd.s32 $0xC00, s22;
	[tilespmem:v1+s16+$0x0] =	vst.idx.msk $0xffff, v11;
	v1 =	vor.u32 s28, v0  }
0x15a: {  	v2 =	vor.u32 s29, v0;
	s28 =	sadd.s32 $0x400, s22;
	[tilespmem:v4+s16+$0x0] =	vst.idx.msk $0xffff, v5  }
0x15b: {  	v4 =	vor.u32 s28, v0  }
0x15c: {  	v7 =	vor.u32 s22, v0;
	s28 =	sadd.s32 $0xFFFFFC00, s22;
	v10 =	vld [tilespmem:s23+$0x0]  }
0x15d: {  	v8 =	vor.u32 s28, v0;
	s28 =	sadd.s32 $0x800, s22;
	v12 =	vld.idx.msk [tilespmem:v3+s11+$0x0], $0xffff  }
0x15e: {  	v5 =	vor.u32 s28, v0;
	s28 =	sadd.s32 $0x801, s22;
	v14 =	vld.idx.msk [tilespmem:v1+s11+$0x0], $0xffff  }
0x15f: {  	s29 =	sadd.s32 $0xFFFFF801, s22;
	v6 =	vor.u32 s28, v0;
	v16 =	vld.idx.msk [tilespmem:v2+s11+$0x0], $0xffff  }
0x160: {  	s30 =	sadd.s32 $0xFFFFF401, s22;
	s31 =	sadd.s32 $0xFFFFF800, s22;
	v9 =	vor.u32 s29, v0;
	s28 =	sadd.s32 $0xFFFFF400, s22;
	v17 =	vld.idx.msk [tilespmem:v4+s11+$0x0], $0xffff  }
0x161: {  	v15 =	vor.u32 s30, v0;
	v11 =	vor.u32 s31, v0;
	v13 =	vor.u32 s28, v0;
	v18 =	vld.idx.msk [tilespmem:v7+s11+$0x0], $0xffff  }
0x162: {  	v19 =	vld.idx.msk [tilespmem:v8+s11+$0x0], $0xffff  }
0x163: {  	v20 =	vld.idx.msk [tilespmem:v5+s11+$0x0], $0xffff  }
0x164: {  	v12 =	vadd.f32 v12, v12;
	v22 =	vsub.f32 v10, v14;
	v21 =	vld.idx.msk [tilespmem:v6+s11+$0x0], $0xffff  }
0x165: {  	v24 =	vadd.f32 v16, v16;
	v23 =	vld.idx.msk [tilespmem:v9+s11+$0x0], $0xffff  }
0x166: {  	v26 =	vsub.f32 v22, v12;
	v22 =	vadd.f32 v22, v12;
	v25 =	vld.idx.msk [tilespmem:v11+s11+$0x0], $0xffff  }
0x167: {  	s28 =	sadd.s32 $0x401, s22;
	v10 =	vadd.f32 v14, v10;
	v18 =	vadd.f32 v18, v18;
	v27 =	vld.idx.msk [tilespmem:v13+s11+$0x0], $0xffff  }
0x168: {  	s29 =	sadd.s32 $0xFFFFFC01, s22;
	v12 =	vor.u32 s28, v0;
	v29 =	vadd.f32 v17, v17;
	v19 =	vadd.f32 v19, v19;
	v28 =	vld.idx.msk [tilespmem:v15+s11+$0x0], $0xffff  }
0x169: {  	v14 =	vor.u32 s29, v0;
	s28 =	sadd.s32 $0xC01, s22;
	v16 =	vadd.f32 v10, v18;
	v30 =	vsub.f32 v10, v18  }
0x16a: {  	v10 =	vor.u32 s28, v0;
	v31 =	vsub.f32 v19, v29;
	v32 =	vadd.f32 v29, v19  }
0x16b: {  	v21 =	vadd.f32 v21, v21;
	v23 =	vadd.f32 v23, v23  }
0x16c: {  	v20 =	vadd.f32 v20, v20;
	v18 =	vadd.f32 v25, v25  }
0x16d: {  	v27 =	vadd.f32 v27, v27;
	v33 =	vadd.f32 v21, v23;
	v25 =	vld.idx.msk [tilespmem:v12+s11+$0x0], $0xffff  }
0x16e: {  	v17 =	vadd.f32 v20, v18;
	v20 =	vsub.f32 v18, v20;
	v34 =	vld.idx.msk [tilespmem:v14+s11+$0x0], $0xffff  }
0x16f: {  	v18 =	vadd.f32 v19, v27;
	v19 =	vsub.f32 v27, v24;
	v35 =	vld.idx.msk [tilespmem:v10+s11+$0x0], $0xffff  }
0x170: {  	v21 =	vsub.f32 v21, v23;
	v23 =	vmul.f32 $3.826834260e-01, v31;
	v36 =	vsub.f32 v20, v33  }
0x171: {  	v37 =	vmul.f32 $9.238795040e-01, v19;
	v38 =	vmul.f32 $3.826834260e-01, v19;
	v19 =	vadd.f32 v24, v27  }
0x172: {  	v20 =	vadd.f32 v33, v20;
	v33 =	vadd.f32 v30, v21;
	v27 =	vmul.f32 $7.071067690e-01, v36  }
0x173: {  	v36 =	vadd.f32 v37, v23;
	v19 =	vsub.f32 v19, v32  }
0x174: {  	v20 =	vmul.f32 $7.071067690e-01, v20;
	v37 =	vsub.f32 v16, v17;
	v32 =	vadd.f32 v26, v27  }
0x175: {  	v23 =	vadd.f32 v25, v25;
	v25 =	vsub.f32 v26, v27;
	v26 =	vmul.f32 $9.238795040e-01, v31  }
0x176: {  	v31 =	vadd.f32 v22, v20;
	v27 =	vadd.f32 v35, v35  }
0x177: {  	v34 =	vadd.f32 v34, v34;
	v20 =	vsub.f32 v22, v20;
	v22 =	vmul.f32 $7.071067690e-01, v19  }
0x178: {  	v28 =	vadd.f32 v28, v28;
	v35 =	vadd.f32 v27, v23  }
0x179: {  	v21 =	vsub.f32 v30, v21;
	v30 =	vadd.f32 v23, v34  }
0x17a: {  	v40 =	vadd.f32 v34, v28;
	v39 =	vadd.f32 v27, v28  }
0x17b: {  	v19 =	vadd.f32 v24, v29;
	v24 =	vsub.f32 v34, v28;
	v28 =	vmul.f32 $9.238795040e-01, v30  }
0x17c: {  	v23 =	vsub.f32 v27, v23;
	v27 =	vmul.f32 $3.826834260e-01, v39;
	v29 =	vsub.f32 v40, v35  }
0x17d: {  	v26 =	vsub.f32 v38, v26;
	v30 =	vmul.f32 $3.826834260e-01, v30;
	v34 =	vmul.f32 $9.238795040e-01, v39  }
0x17e: {  	v35 =	vadd.f32 v23, v24;
	v27 =	vadd.f32 v27, v28;
	v28 =	vmul.f32 $7.071067690e-01, v29  }
0x17f: {  	v23 =	vsub.f32 v34, v30  }
0x180: {  	v29 =	vadd.f32 v27, v36;
	v24 =	vsub.f32 v22, v28  }
0x181: {  	v30 =	vsub.f32 v26, v23;
	v26 =	vadd.f32 v23, v26  }
0x182: {  	v23 =	vsub.f32 v37, v35;
	v38 =	vsub.f32 v33, v24  }
0x183: {  	v34 =	vadd.f32 v30, v20;
	v20 =	vsub.f32 v20, v30  }
0x184: {  	v30 =	vadd.f32 v24, v33;
	v33 =	vadd.f32 v26, v25;
	v24 =	vmax.f32 v23, $0.0e+00  }
0x185: {  	v39 =	vsub.f32 v31, v29;
	v29 =	vadd.f32 v29, v31;
	v20 =	vmax.f32 v20, $0.0e+00  }
0x186: {  	v34 =	vmax.f32 v34, $0.0e+00;
	v31 =	vmax.f32 v33, $0.0e+00;
	v23 =	vmul.f32 $6.250000000e-02, v20  }
0x187: {  	v20 =	vadd.f32 v28, v22;
	v22 =	vsub.f32 v25, v26;
	v26 =	vmul.f32 $6.250000000e-02, v34  }
0x188: {  	v25 =	vsub.f32 v36, v27;
	v28 =	vmax.f32 v39, $0.0e+00;
	v27 =	vmax.f32 v29, $0.0e+00  }
0x189: {  	v33 =	vsub.f32 v21, v20;
	v22 =	vmax.f32 v22, $0.0e+00  }
0x18a: {  	v36 =	vadd.f32 v25, v32;
	v25 =	vsub.f32 v32, v25;
	v29 =	vmul.f32 $6.250000000e-02, v22  }
0x18b: {  	v34 =	vmul.f32 $6.250000000e-02, v27;
	v20 =	vadd.f32 v20, v21;
	v21 =	vmax.f32 v33, $0.0e+00  }
0x18c: {  	v27 =	vmax.f32 v36, $0.0e+00;
	v32 =	vmax.f32 v25, $0.0e+00;
	v22 =	vadd.f32 v23, v29  }
0x18d: {  	v25 =	vadd.f32 v37, v35;
	v35 =	vmul.f32 $6.250000000e-02, v27  }
0x18e: {  	v21 =	vmul.f32 $6.250000000e-02, v21;
	v27 =	vmax.f32 v38, $0.0e+00  }
.Ltmp6:
0x18f: {  	v33 =	vmax.f32 v25, $0.0e+00;
	v36 =	vmul.f32 $6.250000000e-02, v27;
	(pc) =	sbr.rel @p0 .LBB2_9-.Ltmp6, $4  }
0x190: {  	v20 =	vmax.f32 v20, $0.0e+00;
	v25 =	vmax.f32 v30, $0.0e+00  }
0x191: {  	v38 =	vmul.f32 $6.250000000e-02, v20;
	v37 =	vmul.f32 $6.250000000e-02, v25;
	v25 =	vadd.f32 v34, v35  }
0x192: {  	v32 =	vmul.f32 $6.250000000e-02, v32;
	v27 =	vadd.f32 v36, v21;
	v20 =	vsub.f32 v21, v36  }
0x193: {  	v30 =	vadd.f32 v38, v37;
	v21 =	vsub.f32 v37, v38  }
0x194: {  	v16 =	vadd.f32 v16, v17;
	v46 =	vadd.f32 v19, v18  }
0x195: {  	v18 =	vsub.f32 v35, v34;
	v31 =	vmul.f32 $6.250000000e-02, v31;
	v23 =	vsub.f32 v29, v23  }
0x196: {  	v24 =	vmul.f32 $6.250000000e-02, v24;
	v47 =	vsub.f32 v30, v27;
	v49 =	vadd.f32 v20, v21  }
0x197: {  	v33 =	vmul.f32 $6.250000000e-02, v33;
	v56 =	vadd.f32 v27, v30;
	v44 =	vsub.f32 v20, v21  }
0x198: {  	v28 =	vmul.f32 $6.250000000e-02, v28;
	v48 =	vadd.f32 v16, v46;
	v16 =	vsub.f32 v16, v46  }
0x199: {  	v50 =	vadd.f32 v31, v26;
	v26 =	vsub.f32 v26, v31  }
0x19a: {  	v51 =	vadd.f32 v24, v33;
	v38 =	vsub.f32 v28, v32  }
0x19b: {  	v28 =	vadd.f32 v32, v28;
	v24 =	vsub.f32 v33, v24  }
0x19c: {  	v52 =	vsub.f32 v50, v22;
	v37 =	vadd.f32 v23, v26  }
0x19d: {  	v17 =	vmul.f32 $-7.071067690e-01, v49;
	v53 =	vadd.f32 v26, v18;
	v54 =	vadd.f32 v50, v25  }
0x19e: {  	v34 =	vmax.f32 v48, $0.0e+00;
	v35 =	vadd.f32 v22, v50;
	v55 =	vadd.f32 v28, v22  }
0x19f: {  	v16 =	vmax.f32 v16, $0.0e+00;
	v58 =	vsub.f32 v25, v28;
	v59 =	vadd.f32 v28, v25  }
0x1a0: {  	v60 =	vadd.f32 v38, v18;
	v31 =	vmul.f32 $6.250000000e-02, v34;
	v16 =	vmul.f32 $6.250000000e-02, v16  }
0x1a1: {  	v42 =	vadd.f32 v38, v23;
	v62 =	vsub.f32 v17, v24  }
0x1a2: {  	v19 =	vmul.f32 $7.071067690e-01, v47;
	v17 =	vadd.f32 v17, v24;
	v36 =	vadd.f32 v16, v31  }
0x1a3: {  	v57 =	vmul.f32 $3.826834260e-01, v37;
	v61 =	vmul.f32 $9.238795040e-01, v58;
	v16 =	vsub.f32 v31, v16  }
0x1a4: {  	v41 =	vmul.f32 $3.826834260e-01, v52;
	v25 =	vsub.f32 v59, v35;
	v39 =	vadd.f32 v51, v36  }
0x1a5: {  	v37 =	vmul.f32 $9.238795040e-01, v37;
	v33 =	vadd.f32 v19, v16;
	v16 =	vsub.f32 v16, v19  }
0x1a6: {  	v63 =	vmul.f32 $-3.826834260e-01, v60;
	v19 =	vadd.f32 v55, v54;
	v40 =	vadd.f32 v56, v39  }
0x1a7: {  	v34 =	vmul.f32 $9.238795040e-01, v52;
	v32 =	vsub.f32 v53, v42;
	v22 =	vadd.f32 v41, v61  }
0x1a8: {  	v37 =	vsub.f32 v63, v37;
	v25 =	vmul.f32 $7.071067690e-01, v25;
	v45 =	vadd.f32 v19, v40  }
0x1a9: {  	v29 =	vsub.f32 v36, v51;
	v36 =	vmul.f32 $3.826834260e-01, v58;
	v46 =	vadd.f32 v22, v33  }
0x1aa: {  	v28 =	vmul.f32 $9.238795040e-01, v60;
	v48 =	vmul.f32 $-7.071067690e-01, v32;
	v47 =	vadd.f32 v37, v62;
	[tilespmem:s24+$0x0] =	vst v45  }
0x1ab: {  	v49 =	vsub.f32 v36, v34;
	v50 =	vadd.f32 v25, v29;
	[tilespmem:v13+s16+$0x0] =	vst.idx.msk $0xffff, v46  }
0x1ac: {  	v51 =	vsub.f32 v57, v28;
	v52 =	vadd.f32 v48, v44;
	[tilespmem:v15+s16+$0x0] =	vst.idx.msk $0xffff, v47  }
0x1ad: {  	v18 =	vsub.f32 v26, v18;
	v53 =	vadd.f32 v49, v16;
	[tilespmem:v11+s16+$0x0] =	vst.idx.msk $0xffff, v50  }
0x1ae: {  	v54 =	vsub.f32 v38, v23;
	v55 =	vadd.f32 v51, v17;
	[tilespmem:v9+s16+$0x0] =	vst.idx.msk $0xffff, v52  }
0x1af: {  	v56 =	vsub.f32 v39, v56;
	[tilespmem:v8+s16+$0x0] =	vst.idx.msk $0xffff, v53  }
0x1b0: {  	v57 =	vadd.f32 v54, v18;
	[tilespmem:v14+s16+$0x0] =	vst.idx.msk $0xffff, v55  }
0x1b1: {  	v58 =	vsub.f32 v16, v49;
	[tilespmem:v7+s16+$0x0] =	vst.idx.msk $0xffff, v56  }
0x1b2: {  	v59 =	vsub.f32 v51, v17;
	[tilespmem:v3+s16+$0x0] =	vst.idx.msk $0xffff, v57  }
0x1b3: {  	v3 =	vsub.f32 v29, v25;
	[tilespmem:v4+s16+$0x0] =	vst.idx.msk $0xffff, v58  }
0x1b4: {  	s22 =	sadd.s32 $0x1001, s22;
	v60 =	vsub.f32 v48, v44;
	[tilespmem:v12+s16+$0x0] =	vst.idx.msk $0xffff, v59  }
0x1b5: {  	v61 =	vsub.f32 v33, v22;
	[tilespmem:v5+s16+$0x0] =	vst.idx.msk $0xffff, v3;
	v3 =	vor.u32 s22, v0  }
0x1b6: {  	p0 =	seq.s32 s19, $0x3F;
	v62 =	vsub.f32 v37, v62;
	[tilespmem:v6+s16+$0x0] =	vst.idx.msk $0xffff, v60  }
.Ltmp7:
0x1b7: {  	v63 =	vsub.f32 v40, v19;
	[tilespmem:v2+s16+$0x0] =	vst.idx.msk $0xffff, v61;
	(pc) =	sbr.rel @p0 .LBB2_12-.Ltmp7, $4  }
0x1b8: {  	v2 =	vmul.f32 $0.0e+00, v31;
	[tilespmem:v10+s16+$0x0] =	vst.idx.msk $0xffff, v62  }
0x1b9: {  	s21 =	sadd.s32 s21, s3;
	[tilespmem:v1+s16+$0x0] =	vst.idx.msk $0xffff, v63  }
0x1ba: {  	s21 =	sadd.s32 $0x10, s21;
	[tilespmem:v3+s16+$0x0] =	vst.idx.msk $0xffff, v2  }
0x1bb: {  	[hbm4b:s21+s9] =	stream.strided.scatter [tilespmem:s16], [sflag:$0x4], $0x2200, s10, s9, $0x38;
	[tilespmem:$0x8800] =	vst v63  }
0x1bc: {  	s20 =	sadd.s32 $0x3, s20  }
0x1bd: {  	s21 =	sshrl.u32 s20, $0x3  }
0x1be: {  	s20 =	sshll.u32 s20, $0x7;
	s21 =	smul.u32 $0x11000, s21  }
.Ltmp8:
0x1bf: {  	s20 =	sand.u32 $0x380, s20;
	(pc) =	sbr.rel .LBB2_2-.Ltmp8, $4  }
0x1c0: {  	s20 =	sor.u32 s20, s21  }
0x1c1: {  	s20 =	sshrl.u32 s20, $0x3  }
0x1c2: {  	s19 =	sadd.s32 $0x1, s19;
	s20 =	sadd.s32 s2, s20  }
0x1c3: {  	[tilespmem:s11], [sflag:$0x2] =	stream.strided.gather [hbm4b:s20+s9], $0x2200, s10, s9, $0x38;
	[tilespmem:$0x8800] =	vst v63  }
.LBB2_13:
0x1c4: {  	_ =	sfence.sel $0x180000  }
0x1c5: {  	[bflag:$0x0] =	sbarrier.arrive $0xFFFF  }
0x1c6: {  	p0 =	sne.s32 s0, $0x0;
	_ =	strace $0x90000047  }
0x1c7: {  	s0 =	sadd.s32 @!p0 $0x100000, s1;
	[bflag:$0x2] =	sbarrier.arrive $0xFFFF  }
0x1c8: {  	[sflag:s0] =	ssyncadd.tile.s32 @!p0 $0x1;
	_ =	shalt  }
.Lfunc_end2:
_tile_overlayer_lowered:
.L_overlay_start_2:
0x1c9: {  	(tag) =	ssettag $0x2  }
0x1ca: {  	s0 =	rddreg [dreg:$0x0];
	s2 =	stileid.u32  }
0x1cb: {  	s1 =	rddreg [dreg:$0x1];
	p0 =	sne.s32 s2, $0x0  }
0x1cc: {  	s3 =	rddreg [dreg:$0x2];
	[bflag:$0x3] =	sbarrier.arrive $0xFFFF;
	s2 =	simm.s32 @!p0 $0x1C05  }
0x1cd: {  	[timem:s3], [sflag:s2] =	dma.local @!p0 [hbm:s0], s1  }
0x1ce: {  	s0 =	simm.s32 @!p0 $0x5  }
0x1cf: {  	_ =	swait.ge @!p0 [sflag:s0], s1  }
0x1d0: {  	s1 =	ssub.s32 @!p0 $0x0, s1;
	[sflag:s0] =	ssyncset.done @!p0 $0x0  }
0x1d1: {  	[sflag:s0] =	ssyncadd.s32 @!p0 s1  }
0x1d2: {  	[bflag:$0x3] =	sbarrier.arrive $0xFFFF  }
0x1d3: {  	_ =	shalt  }

</sc_bundles>
